<compile_context>
chip_gen: v7x
topology: tpu7x:2x2x1
jax: 0.10.2.dev20260603
libtpu: 0.0.44.dev20260713+nightly
codegen_flags: <defaults>
</compile_context>

<pallas_src>
import jax
import jax.numpy as jnp
from jax import lax
from jax.experimental import pallas as pl
from jax.experimental.pallas import tpu as pltpu
from jax.experimental.pallas import tpu_sc as plsc

N = 10000
NP = 10240
E = 320000
D = 128
C = 64

NW = 32
F = D // NW
FB = F * NP
SUB = 2000



def _segmax_body(m_hbm, src_hbm, dst_hbm, agg_hbm,
                 src_in, dst_in, m_l, agg_l, tmp):
    cid = lax.axis_index("c")
    sid = lax.axis_index("s")
    wid = sid * 2 + cid
    lanes = lax.iota(jnp.int32, 16)

    moff = pl.multiple_of(wid * FB, FB)
    pltpu.sync_copy(m_hbm.at[pl.ds(moff, FB)], m_l)

    def zbody(i, c):
        agg_l[pl.ds(i * 16, 16)] = jnp.zeros((16,), jnp.float32)
        return c
    lax.fori_loop(0, FB // 16, zbody, 0)

    def chunk_body(t, c):
        off = pl.multiple_of(t * SUB, SUB)
        pltpu.sync_copy(src_hbm.at[pl.ds(off, SUB)], src_in)
        pltpu.sync_copy(dst_hbm.at[pl.ds(off, SUB)], dst_in)

        def vbody(v, c):
            sv = src_in[pl.ds(v * 16, 16)]
            dv = dst_in[pl.ds(v * 16, 16)]

            plsc.store_scatter(tmp, [dv], lanes)
            rd = plsc.load_gather(tmp, [dv])
            nodup = plsc.all_reduce_population_count(rd != lanes)[0] == 0

            vals = [plsc.load_gather(m_l, [f * NP + sv]) for f in range(F)]
            idxd = [f * NP + dv for f in range(F)]

            @pl.when(nodup)
            def _():
                for f in range(F):
                    cur = plsc.load_gather(agg_l, [idxd[f]])
                    plsc.store_scatter(agg_l, [idxd[f]],
                                       jnp.maximum(cur, vals[f]))

            @pl.when(jnp.logical_not(nodup))
            def _():
                for j in range(16):
                    msk = lanes == j
                    for f in range(F):
                        cur = plsc.load_gather(agg_l, [idxd[f]], mask=msk)
                        nv = jnp.maximum(cur, vals[f])
                        plsc.store_scatter(agg_l, [idxd[f]], nv, mask=msk)

            return c

        return lax.fori_loop(0, SUB // 16, vbody, c)

    lax.fori_loop(0, E // SUB, chunk_body, 0)

    pltpu.sync_copy(agg_l, agg_hbm.at[pl.ds(moff, FB)])


_segmax = pl.kernel(
    _segmax_body,
    out_type=jax.ShapeDtypeStruct((NW * FB,), jnp.float32),
    mesh=plsc.VectorSubcoreMesh(core_axis_name="c", subcore_axis_name="s"),
    compiler_params=pltpu.CompilerParams(needs_layout_passes=False),
    scratch_types=[
        pltpu.VMEM((SUB,), jnp.int32),
        pltpu.VMEM((SUB,), jnp.int32),
        pltpu.VMEM((FB,), jnp.float32),
        pltpu.VMEM((FB,), jnp.float32),
        pltpu.VMEM((NP,), jnp.int32),
    ],
)



_BLK = 1024
_GRID = NP // _BLK


def _dot(w, x):
    return lax.dot_general(w, x, (((1,), (0,)), ((), ())),
                           preferred_element_type=jnp.float32)


def _dotT(w, x):
    return lax.dot_general(w, x, (((1,), (1,)), ((), ())),
                           preferred_element_type=jnp.float32)


def _dense1_body(x_ref, wp_ref, bp_ref, ws_ref, m_ref, s_ref):
    xb = x_ref[...]
    m_ref[...] = jnp.maximum(_dotT(wp_ref[...], xb) + bp_ref[...], 0.0)
    s_ref[...] = _dotT(ws_ref[...], xb)


_dense1 = pl.pallas_call(
    _dense1_body,
    grid=(_GRID,),
    in_specs=[
        pl.BlockSpec((_BLK, D), lambda i: (i, 0)),
        pl.BlockSpec((D, D), lambda i: (0, 0)),
        pl.BlockSpec((D, 1), lambda i: (0, 0)),
        pl.BlockSpec((D, D), lambda i: (0, 0)),
    ],
    out_specs=(
        pl.BlockSpec((D, _BLK), lambda i: (0, i)),
        pl.BlockSpec((D, _BLK), lambda i: (0, i)),
    ),
    out_shape=(
        jax.ShapeDtypeStruct((D, NP), jnp.float32),
        jax.ShapeDtypeStruct((D, NP), jnp.float32),
    ),
)


def _dense2_body(s1_ref, agg_ref, wn1_ref, bn1_ref, wp2_ref, bp2_ref,
                 ws2_ref, m2_ref, s2_ref):
    h = s1_ref[...] + _dot(wn1_ref[...], agg_ref[...]) + bn1_ref[...]
    h = jnp.maximum(h, 0.0)
    m2_ref[...] = jnp.maximum(_dot(wp2_ref[...], h) + bp2_ref[...], 0.0)
    s2_ref[...] = _dot(ws2_ref[...], h)


_dense2 = pl.pallas_call(
    _dense2_body,
    grid=(_GRID,),
    in_specs=[
        pl.BlockSpec((D, _BLK), lambda i: (0, i)),
        pl.BlockSpec((D, _BLK), lambda i: (0, i)),
        pl.BlockSpec((D, D), lambda i: (0, 0)),
        pl.BlockSpec((D, 1), lambda i: (0, 0)),
        pl.BlockSpec((D, D), lambda i: (0, 0)),
        pl.BlockSpec((D, 1), lambda i: (0, 0)),
        pl.BlockSpec((C, D), lambda i: (0, 0)),
    ],
    out_specs=(
        pl.BlockSpec((D, _BLK), lambda i: (0, i)),
        pl.BlockSpec((C, _BLK), lambda i: (0, i)),
    ),
    out_shape=(
        jax.ShapeDtypeStruct((D, NP), jnp.float32),
        jax.ShapeDtypeStruct((C, NP), jnp.float32),
    ),
)


def _dense3_body(s2_ref, agg_ref, wn2_ref, bn2_ref, o_ref):
    ot = s2_ref[...] + _dot(wn2_ref[...], agg_ref[...]) + bn2_ref[...]
    o_ref[...] = ot.T


_dense3 = pl.pallas_call(
    _dense3_body,
    grid=(_GRID,),
    in_specs=[
        pl.BlockSpec((C, _BLK), lambda i: (0, i)),
        pl.BlockSpec((D, _BLK), lambda i: (0, i)),
        pl.BlockSpec((C, D), lambda i: (0, 0)),
        pl.BlockSpec((C, 1), lambda i: (0, 0)),
    ],
    out_specs=pl.BlockSpec((_BLK, C), lambda i: (i, 0)),
    out_shape=jax.ShapeDtypeStruct((NP, C), jnp.float32),
)


@jax.jit
def kernel(in_feat, edge_index, W_pool1, b_pool1, W_self1, W_neigh1, b_neigh1,
           W_pool2, b_pool2, W_self2, W_neigh2, b_neigh2):
    src = edge_index[0].astype(jnp.int32)
    dst = edge_index[1].astype(jnp.int32)

    xpad = jnp.pad(in_feat, ((0, NP - N), (0, 0)))
    m1t, s1t = _dense1(xpad, W_pool1, b_pool1.reshape(D, 1), W_self1)
    agg1t = _segmax(m1t.reshape(-1), src, dst).reshape(D, NP)
    m2t, s2t = _dense2(s1t, agg1t, W_neigh1, b_neigh1.reshape(D, 1),
                       W_pool2, b_pool2.reshape(D, 1), W_self2)
    agg2t = _segmax(m2t.reshape(-1), src, dst).reshape(D, NP)
    return _dense3(s2t, agg2t, W_neigh2, b_neigh2.reshape(C, 1))[:N]

# --- scband reference (transcript-rebuilt; emitter-appended) ---
"""Pipeline reference for scband-graph-sage-42494406427538 (READ-ONLY COPY).

The authoritative reference and input builder live on the scoring server;
editing this copy changes nothing except your own understanding.
"""

import jax, jax.numpy as jnp
import numpy as np

N_NODES = 10000
N_EDGES = 320000
D_IN = 128
D_HID = 128
N_CLS = 64


def _glorot(key, shape):
    fan_in = shape[-1]
    lim = 1.0 / np.sqrt(fan_in)
    return jax.random.uniform(key, shape, minval=-lim, maxval=lim, dtype=jnp.float32)


def setup_inputs(seed: int = 0) -> dict:
    key = jax.random.key(seed)
    ks = jax.random.split(key, 12)
    inp = {}
    inp["in_feat"] = jax.random.normal(ks[0], (N_NODES, D_IN), dtype=jnp.float32)
    inp["edge_index"] = jax.random.randint(ks[1], (2, N_EDGES), 0, N_NODES)
    # SAGEConv layer 1 (pool aggregator): fc_pool (in->in, bias), fc_self (in->hid, no bias), fc_neigh (in->hid, bias)
    inp["W_pool1"] = _glorot(ks[2], (D_IN, D_IN))
    inp["b_pool1"] = jnp.zeros((D_IN,), dtype=jnp.float32)
    inp["W_self1"] = _glorot(ks[3], (D_HID, D_IN))
    inp["W_neigh1"] = _glorot(ks[4], (D_HID, D_IN))
    inp["b_neigh1"] = jnp.zeros((D_HID,), dtype=jnp.float32)
    # SAGEConv layer 2: fc_pool (hid->hid, bias), fc_self (hid->cls, no bias), fc_neigh (hid->cls, bias)
    inp["W_pool2"] = _glorot(ks[5], (D_HID, D_HID))
    inp["b_pool2"] = jnp.zeros((D_HID,), dtype=jnp.float32)
    inp["W_self2"] = _glorot(ks[6], (N_CLS, D_HID))
    inp["W_neigh2"] = _glorot(ks[7], (N_CLS, D_HID))
    inp["b_neigh2"] = jnp.zeros((N_CLS,), dtype=jnp.float32)
    return inp


def _sage_pool_conv(x, edge_index, W_pool, b_pool, W_self, W_neigh, b_neigh):
    # DGL SAGEConv, aggregator_type='pool':
    # m_u = relu(fc_pool(h_u)); h_N(v) = max_{u in N(v)} m_u; out = fc_self(h_v) + fc_neigh(h_N(v))
    m = jax.nn.relu(x @ W_pool.T + b_pool)
    src = edge_index[0]
    dst = edge_index[1]
    msgs = jnp.take(m, src, axis=0)
    agg = jax.ops.segment_max(msgs, dst, num_segments=x.shape[0])
    # nodes with no in-edges get -inf from segment_max; DGL uses 0 for empty neighborhoods
    agg = jnp.where(jnp.isfinite(agg), agg, 0.0)
    return x @ W_self.T + agg @ W_neigh.T + b_neigh


def reference(in_feat, edge_index, W_pool1, b_pool1, W_self1, W_neigh1, b_neigh1,
              W_pool2, b_pool2, W_self2, W_neigh2, b_neigh2):
    h = _sage_pool_conv(in_feat, edge_index, W_pool1, b_pool1, W_self1, W_neigh1, b_neigh1)
    h = jax.nn.relu(h)
    # Dropout(p=0.5) in eval mode -> identity
    out = _sage_pool_conv(h, edge_index, W_pool2, b_pool2, W_self2, W_neigh2, b_neigh2)
    return out

if __name__ == "__main__":
    import jax
    _d = setup_inputs()
    print(jax.jit(kernel)(*tuple(_d.values())))

</pallas_src>

<mosaic_0001>
#map = affine_map<(d0, d1) -> (0)>
module attributes {stable_mosaic.version = 14 : i64} {
  func.func @_segmax_body(%arg0: i32, %arg1: i32, %arg2: memref<1310720xf32, #tpu.memory_space<hbm>>, %arg3: memref<320000xi32, #tpu.memory_space<hbm>>, %arg4: memref<320000xi32, #tpu.memory_space<hbm>>, %arg5: memref<1310720xf32, #tpu.memory_space<hbm>>, %arg6: memref<2000xi32, #tpu.memory_space<vmem>>, %arg7: memref<2000xi32, #tpu.memory_space<vmem>>, %arg8: memref<40960xf32, #tpu.memory_space<vmem>>, %arg9: memref<40960xf32, #tpu.memory_space<vmem>>, %arg10: memref<10240xi32, #tpu.memory_space<vmem>>) attributes {dimension_semantics = [#tpu.dimension_semantics<core_parallel>, #tpu.dimension_semantics<subcore_parallel>], iteration_bounds = array<i64: 2, 16>, scalar_prefetch = 0 : i64, scratch_operands = 5 : i64, tpu.core_type = #tpu.core_type<sc_vector_subcore>, window_params = [{transform_indices = #map}, {transform_indices = #map}, {transform_indices = #map}, {transform_indices = #map}]} {
    %mul3A = arith.constant 2 : i32
    %mul3A_0 = arith.muli %arg1, %mul3A : i32
    %add3A = arith.addi %mul3A_0, %arg0 : i32
    %iota3A = tpu.iota {dimensions = array<i32: 0>} : vector<16xi32>
    %mul3A_1 = arith.constant 40960 : i32
    %mul3A_2 = arith.muli %add3A, %mul3A_1 : i32
    %multiple_of3A = tpu.assume_multiple %mul3A_2, 40960 : i32
    "tpu.region"() ({
      %run_scoped3A = tpu.sem_alloc : memref<!tpu.dma_semaphore, #tpu.memory_space<semaphore_mem>>
      %dma_start3A = tpu.memref_slice %arg2[%multiple_of3A] : memref<1310720xf32, #tpu.memory_space<hbm>> -> memref<40960xf32, #tpu.memory_space<hbm>>
      %dma_start3A_14 = tpu.memref_slice %arg2[%multiple_of3A] : memref<1310720xf32, #tpu.memory_space<hbm>> -> memref<40960xf32, #tpu.memory_space<hbm>>
      tpu.enqueue_dma source(%dma_start3A_14 : memref<40960xf32, #tpu.memory_space<hbm>>) target(%arg8 : memref<40960xf32, #tpu.memory_space<vmem>>) target_semaphore(%run_scoped3A : memref<!tpu.dma_semaphore, #tpu.memory_space<semaphore_mem>>)
      %dma_wait3A = tpu.memref_slice %arg2[%multiple_of3A] : memref<1310720xf32, #tpu.memory_space<hbm>> -> memref<40960xf32, #tpu.memory_space<hbm>>
      %dma_wait3A_15 = tpu.memref_slice %arg2[%multiple_of3A] : memref<1310720xf32, #tpu.memory_space<hbm>> -> memref<40960xf32, #tpu.memory_space<hbm>>
      tpu.wait_dma2 semaphore(%run_scoped3A : memref<!tpu.dma_semaphore, #tpu.memory_space<semaphore_mem>>) src(%dma_wait3A_15 : memref<40960xf32, #tpu.memory_space<hbm>>) dst(%arg8 : memref<40960xf32, #tpu.memory_space<vmem>>)
      tpu.yield
    }) : () -> ()
    %scan3A = arith.constant 0 : i32
    %scan3A_3 = arith.constant 0 : i32
    %scan3A_4 = arith.constant 2560 : i32
    %scan3A_5 = arith.addi %scan3A_3, %scan3A_4 : i32
    %scan3A_6 = arith.constant 1 : i32
    scf.for %scan3A_14 = %scan3A_3 to %scan3A_5 step %scan3A_6  : i32 {
      %broadcast_in_dim3A = arith.constant 0.000000e+00 : f32
      %broadcast_in_dim3A_15 = vector.broadcast %broadcast_in_dim3A : f32 to vector<16xf32>
      %mul3A_16 = arith.constant 16 : i32
      %mul3A_17 = arith.muli %scan3A_14, %mul3A_16 : i32
      %swap3A = arith.index_cast %mul3A_17 : i32 to index
      %swap3A_18 = tpu.vector_load %arg9[%swap3A] {strides = array<i32>} : memref<40960xf32, #tpu.memory_space<vmem>>, vector<16xf32>,
      tpu.vector_store %arg9[%swap3A], %broadcast_in_dim3A_15 {strides = array<i32>} : memref<40960xf32, #tpu.memory_space<vmem>>, vector<16xf32>,
    }
    %scan3A_7 = arith.constant 2560 : i32
    %scan3A_8 = arith.constant 0 : i32
    %scan3A_9 = arith.constant 0 : i32
    %scan3A_10 = arith.constant 160 : i32
    %scan3A_11 = arith.addi %scan3A_9, %scan3A_10 : i32
    %scan3A_12 = arith.constant 1 : i32
    scf.for %scan3A_14 = %scan3A_9 to %scan3A_11 step %scan3A_12  : i32 {
      %mul3A_15 = arith.constant 2000 : i32
      %mul3A_16 = arith.muli %scan3A_14, %mul3A_15 : i32
      %multiple_of3A_17 = tpu.assume_multiple %mul3A_16, 2000 : i32
      "tpu.region"() ({
        %run_scoped3A = tpu.sem_alloc : memref<!tpu.dma_semaphore, #tpu.memory_space<semaphore_mem>>
        %dma_start3A = tpu.memref_slice %arg3[%multiple_of3A_17] : memref<320000xi32, #tpu.memory_space<hbm>> -> memref<2000xi32, #tpu.memory_space<hbm>>
        %dma_start3A_23 = tpu.memref_slice %arg3[%multiple_of3A_17] : memref<320000xi32, #tpu.memory_space<hbm>> -> memref<2000xi32, #tpu.memory_space<hbm>>
        tpu.enqueue_dma source(%dma_start3A_23 : memref<2000xi32, #tpu.memory_space<hbm>>) target(%arg6 : memref<2000xi32, #tpu.memory_space<vmem>>) target_semaphore(%run_scoped3A : memref<!tpu.dma_semaphore, #tpu.memory_space<semaphore_mem>>)
        %dma_wait3A = tpu.memref_slice %arg3[%multiple_of3A_17] : memref<320000xi32, #tpu.memory_space<hbm>> -> memref<2000xi32, #tpu.memory_space<hbm>>
        %dma_wait3A_24 = tpu.memref_slice %arg3[%multiple_of3A_17] : memref<320000xi32, #tpu.memory_space<hbm>> -> memref<2000xi32, #tpu.memory_space<hbm>>
        tpu.wait_dma2 semaphore(%run_scoped3A : memref<!tpu.dma_semaphore, #tpu.memory_space<semaphore_mem>>) src(%dma_wait3A_24 : memref<2000xi32, #tpu.memory_space<hbm>>) dst(%arg6 : memref<2000xi32, #tpu.memory_space<vmem>>)
        tpu.yield
      }) : () -> ()
      "tpu.region"() ({
        %run_scoped3A = tpu.sem_alloc : memref<!tpu.dma_semaphore, #tpu.memory_space<semaphore_mem>>
        %dma_start3A = tpu.memref_slice %arg4[%multiple_of3A_17] : memref<320000xi32, #tpu.memory_space<hbm>> -> memref<2000xi32, #tpu.memory_space<hbm>>
        %dma_start3A_23 = tpu.memref_slice %arg4[%multiple_of3A_17] : memref<320000xi32, #tpu.memory_space<hbm>> -> memref<2000xi32, #tpu.memory_space<hbm>>
        tpu.enqueue_dma source(%dma_start3A_23 : memref<2000xi32, #tpu.memory_space<hbm>>) target(%arg7 : memref<2000xi32, #tpu.memory_space<vmem>>) target_semaphore(%run_scoped3A : memref<!tpu.dma_semaphore, #tpu.memory_space<semaphore_mem>>)
        %dma_wait3A = tpu.memref_slice %arg4[%multiple_of3A_17] : memref<320000xi32, #tpu.memory_space<hbm>> -> memref<2000xi32, #tpu.memory_space<hbm>>
        %dma_wait3A_24 = tpu.memref_slice %arg4[%multiple_of3A_17] : memref<320000xi32, #tpu.memory_space<hbm>> -> memref<2000xi32, #tpu.memory_space<hbm>>
        tpu.wait_dma2 semaphore(%run_scoped3A : memref<!tpu.dma_semaphore, #tpu.memory_space<semaphore_mem>>) src(%dma_wait3A_24 : memref<2000xi32, #tpu.memory_space<hbm>>) dst(%arg7 : memref<2000xi32, #tpu.memory_space<vmem>>)
        tpu.yield
      }) : () -> ()
      %scan3A_18 = arith.constant 0 : i32
      %scan3A_19 = arith.constant 125 : i32
      %scan3A_20 = arith.addi %scan3A_18, %scan3A_19 : i32
      %scan3A_21 = arith.constant 1 : i32
      scf.for %scan3A_23 = %scan3A_18 to %scan3A_20 step %scan3A_21  : i32 {
        %mul3A_24 = arith.constant 16 : i32
        %mul3A_25 = arith.muli %scan3A_23, %mul3A_24 : i32
        %get3A = arith.index_cast %mul3A_25 : i32 to index
        %get3A_26 = tpu.vector_load %arg6[%get3A] {strides = array<i32>} : memref<2000xi32, #tpu.memory_space<vmem>>, vector<16xi32>,
        %mul3A_27 = arith.constant 16 : i32
        %mul3A_28 = arith.muli %scan3A_23, %mul3A_27 : i32
        %get3A_29 = arith.index_cast %mul3A_28 : i32 to index
        %get3A_30 = tpu.vector_load %arg7[%get3A_29] {strides = array<i32>} : memref<2000xi32, #tpu.memory_space<vmem>>, vector<16xi32>,
        tpu.vector_store_idx %arg10[%get3A_30], %iota3A : memref<10240xi32, #tpu.memory_space<vmem>>[vector<16xi32>], vector<16xi32>,
        %gather3A = tpu.vector_load_idx %arg10[%get3A_30] : memref<10240xi32, #tpu.memory_space<vmem>>[vector<16xi32>], vector<16xi32>,
        %ne3A = arith.cmpi ne, %gather3A, %iota3A : vector<16xi32>
        %all_reduce_population_count3A = tpu.all_reduce %ne3A {dim = 0 : i64, kind = #tpu.reduction_kind<sum>} : vector<16xi1> -> vector<16xi32>
        %slice3A = vector.extract_strided_slice %all_reduce_population_count3A {offsets = [0], sizes = [1], strides = [1]} : vector<16xi32> to vector<1xi32>
        %squeeze3A = vector.extract %slice3A[0] : i32 from vector<1xi32>
        %eq3A = arith.constant 0 : i32
        %eq3A_31 = arith.cmpi eq, %squeeze3A, %eq3A : i32
        %add3A_32 = arith.constant 0 : i32
        %add3A_33 = vector.broadcast %add3A_32 : i32 to vector<16xi32>
        %add3A_34 = arith.addi %add3A_33, %get3A_26 : vector<16xi32>
        %gather3A_35 = tpu.vector_load_idx %arg8[%add3A_34] : memref<40960xf32, #tpu.memory_space<vmem>>[vector<16xi32>], vector<16xf32>,
        %add3A_36 = arith.constant 10240 : i32
        %add3A_37 = vector.broadcast %add3A_36 : i32 to vector<16xi32>
        %add3A_38 = arith.addi %add3A_37, %get3A_26 : vector<16xi32>
        %gather3A_39 = tpu.vector_load_idx %arg8[%add3A_38] : memref<40960xf32, #tpu.memory_space<vmem>>[vector<16xi32>], vector<16xf32>,
        %add3A_40 = arith.constant 20480 : i32
        %add3A_41 = vector.broadcast %add3A_40 : i32 to vector<16xi32>
        %add3A_42 = arith.addi %add3A_41, %get3A_26 : vector<16xi32>
        %gather3A_43 = tpu.vector_load_idx %arg8[%add3A_42] : memref<40960xf32, #tpu.memory_space<vmem>>[vector<16xi32>], vector<16xf32>,
        %add3A_44 = arith.constant 30720 : i32
        %add3A_45 = vector.broadcast %add3A_44 : i32 to vector<16xi32>
        %add3A_46 = arith.addi %add3A_45, %get3A_26 : vector<16xi32>
        %gather3A_47 = tpu.vector_load_idx %arg8[%add3A_46] : memref<40960xf32, #tpu.memory_space<vmem>>[vector<16xi32>], vector<16xf32>,
        %add3A_48 = arith.constant 0 : i32
        %add3A_49 = vector.broadcast %add3A_48 : i32 to vector<16xi32>
        %add3A_50 = arith.addi %add3A_49, %get3A_30 : vector<16xi32>
        %add3A_51 = arith.constant 10240 : i32
        %add3A_52 = vector.broadcast %add3A_51 : i32 to vector<16xi32>
        %add3A_53 = arith.addi %add3A_52, %get3A_30 : vector<16xi32>
        %add3A_54 = arith.constant 20480 : i32
        %add3A_55 = vector.broadcast %add3A_54 : i32 to vector<16xi32>
        %add3A_56 = arith.addi %add3A_55, %get3A_30 : vector<16xi32>
        %add3A_57 = arith.constant 30720 : i32
        %add3A_58 = vector.broadcast %add3A_57 : i32 to vector<16xi32>
        %add3A_59 = arith.addi %add3A_58, %get3A_30 : vector<16xi32>
        %convert_element_type3A = arith.extui %eq3A_31 : i1 to i32
        %cond3A = arith.constant 0 : i32
        %cond3A_60 = arith.cmpi ne, %convert_element_type3A, %cond3A : i32
        scf.if %cond3A_60 {
          %gather3A_65 = tpu.vector_load_idx %arg9[%add3A_50] : memref<40960xf32, #tpu.memory_space<vmem>>[vector<16xi32>], vector<16xf32>,
          %max3A = arith.maximumf %gather3A_65, %gather3A_35 : vector<16xf32>
          tpu.vector_store_idx %arg9[%add3A_50], %max3A : memref<40960xf32, #tpu.memory_space<vmem>>[vector<16xi32>], vector<16xf32>,
          %gather3A_66 = tpu.vector_load_idx %arg9[%add3A_53] : memref<40960xf32, #tpu.memory_space<vmem>>[vector<16xi32>], vector<16xf32>,
          %max3A_67 = arith.maximumf %gather3A_66, %gather3A_39 : vector<16xf32>
          tpu.vector_store_idx %arg9[%add3A_53], %max3A_67 : memref<40960xf32, #tpu.memory_space<vmem>>[vector<16xi32>], vector<16xf32>,
          %gather3A_68 = tpu.vector_load_idx %arg9[%add3A_56] : memref<40960xf32, #tpu.memory_space<vmem>>[vector<16xi32>], vector<16xf32>,
          %max3A_69 = arith.maximumf %gather3A_68, %gather3A_43 : vector<16xf32>
          tpu.vector_store_idx %arg9[%add3A_56], %max3A_69 : memref<40960xf32, #tpu.memory_space<vmem>>[vector<16xi32>], vector<16xf32>,
          %gather3A_70 = tpu.vector_load_idx %arg9[%add3A_59] : memref<40960xf32, #tpu.memory_space<vmem>>[vector<16xi32>], vector<16xf32>,
          %max3A_71 = arith.maximumf %gather3A_70, %gather3A_47 : vector<16xf32>
          tpu.vector_store_idx %arg9[%add3A_59], %max3A_71 : memref<40960xf32, #tpu.memory_space<vmem>>[vector<16xi32>], vector<16xf32>,
        } else {
        }
        %not3A = arith.constant true
        %not3A_61 = arith.xori %eq3A_31, %not3A : i1
        %convert_element_type3A_62 = arith.extui %not3A_61 : i1 to i32
        %cond3A_63 = arith.constant 0 : i32
        %cond3A_64 = arith.cmpi ne, %convert_element_type3A_62, %cond3A_63 : i32
        scf.if %cond3A_64 {
          %eq3A_65 = arith.constant 0 : i32
          %eq3A_66 = vector.broadcast %eq3A_65 : i32 to vector<16xi32>
          %eq3A_67 = arith.cmpi eq, %iota3A, %eq3A_66 : vector<16xi32>
          %gather3A_68 = tpu.vector_load_idx %arg9[%add3A_50] masked %eq3A_67 : memref<40960xf32, #tpu.memory_space<vmem>>[vector<16xi32>], vector<16xf32>, vector<16xi1>
          %max3A = arith.maximumf %gather3A_68, %gather3A_35 : vector<16xf32>
          tpu.vector_store_idx %arg9[%add3A_50], %max3A masked %eq3A_67 : memref<40960xf32, #tpu.memory_space<vmem>>[vector<16xi32>], vector<16xf32>, vector<16xi1>
          %gather3A_69 = tpu.vector_load_idx %arg9[%add3A_53] masked %eq3A_67 : memref<40960xf32, #tpu.memory_space<vmem>>[vector<16xi32>], vector<16xf32>, vector<16xi1>
          %max3A_70 = arith.maximumf %gather3A_69, %gather3A_39 : vector<16xf32>
          tpu.vector_store_idx %arg9[%add3A_53], %max3A_70 masked %eq3A_67 : memref<40960xf32, #tpu.memory_space<vmem>>[vector<16xi32>], vector<16xf32>, vector<16xi1>
          %gather3A_71 = tpu.vector_load_idx %arg9[%add3A_56] masked %eq3A_67 : memref<40960xf32, #tpu.memory_space<vmem>>[vector<16xi32>], vector<16xf32>, vector<16xi1>
          %max3A_72 = arith.maximumf %gather3A_71, %gather3A_43 : vector<16xf32>
          tpu.vector_store_idx %arg9[%add3A_56], %max3A_72 masked %eq3A_67 : memref<40960xf32, #tpu.memory_space<vmem>>[vector<16xi32>], vector<16xf32>, vector<16xi1>
          %gather3A_73 = tpu.vector_load_idx %arg9[%add3A_59] masked %eq3A_67 : memref<40960xf32, #tpu.memory_space<vmem>>[vector<16xi32>], vector<16xf32>, vector<16xi1>
          %max3A_74 = arith.maximumf %gather3A_73, %gather3A_47 : vector<16xf32>
          tpu.vector_store_idx %arg9[%add3A_59], %max3A_74 masked %eq3A_67 : memref<40960xf32, #tpu.memory_space<vmem>>[vector<16xi32>], vector<16xf32>, vector<16xi1>
          %eq3A_75 = arith.constant 1 : i32
          %eq3A_76 = vector.broadcast %eq3A_75 : i32 to vector<16xi32>
          %eq3A_77 = arith.cmpi eq, %iota3A, %eq3A_76 : vector<16xi32>
          %gather3A_78 = tpu.vector_load_idx %arg9[%add3A_50] masked %eq3A_77 : memref<40960xf32, #tpu.memory_space<vmem>>[vector<16xi32>], vector<16xf32>, vector<16xi1>
          %max3A_79 = arith.maximumf %gather3A_78, %gather3A_35 : vector<16xf32>
          tpu.vector_store_idx %arg9[%add3A_50], %max3A_79 masked %eq3A_77 : memref<40960xf32, #tpu.memory_space<vmem>>[vector<16xi32>], vector<16xf32>, vector<16xi1>
          %gather3A_80 = tpu.vector_load_idx %arg9[%add3A_53] masked %eq3A_77 : memref<40960xf32, #tpu.memory_space<vmem>>[vector<16xi32>], vector<16xf32>, vector<16xi1>
          %max3A_81 = arith.maximumf %gather3A_80, %gather3A_39 : vector<16xf32>
          tpu.vector_store_idx %arg9[%add3A_53], %max3A_81 masked %eq3A_77 : memref<40960xf32, #tpu.memory_space<vmem>>[vector<16xi32>], vector<16xf32>, vector<16xi1>
          %gather3A_82 = tpu.vector_load_idx %arg9[%add3A_56] masked %eq3A_77 : memref<40960xf32, #tpu.memory_space<vmem>>[vector<16xi32>], vector<16xf32>, vector<16xi1>
          %max3A_83 = arith.maximumf %gather3A_82, %gather3A_43 : vector<16xf32>
          tpu.vector_store_idx %arg9[%add3A_56], %max3A_83 masked %eq3A_77 : memref<40960xf32, #tpu.memory_space<vmem>>[vector<16xi32>], vector<16xf32>, vector<16xi1>
          %gather3A_84 = tpu.vector_load_idx %arg9[%add3A_59] masked %eq3A_77 : memref<40960xf32, #tpu.memory_space<vmem>>[vector<16xi32>], vector<16xf32>, vector<16xi1>
          %max3A_85 = arith.maximumf %gather3A_84, %gather3A_47 : vector<16xf32>
          tpu.vector_store_idx %arg9[%add3A_59], %max3A_85 masked %eq3A_77 : memref<40960xf32, #tpu.memory_space<vmem>>[vector<16xi32>], vector<16xf32>, vector<16xi1>
          %eq3A_86 = arith.constant 2 : i32
          %eq3A_87 = vector.broadcast %eq3A_86 : i32 to vector<16xi32>
          %eq3A_88 = arith.cmpi eq, %iota3A, %eq3A_87 : vector<16xi32>
          %gather3A_89 = tpu.vector_load_idx %arg9[%add3A_50] masked %eq3A_88 : memref<40960xf32, #tpu.memory_space<vmem>>[vector<16xi32>], vector<16xf32>, vector<16xi1>
          %max3A_90 = arith.maximumf %gather3A_89, %gather3A_35 : vector<16xf32>
          tpu.vector_store_idx %arg9[%add3A_50], %max3A_90 masked %eq3A_88 : memref<40960xf32, #tpu.memory_space<vmem>>[vector<16xi32>], vector<16xf32>, vector<16xi1>
          %gather3A_91 = tpu.vector_load_idx %arg9[%add3A_53] masked %eq3A_88 : memref<40960xf32, #tpu.memory_space<vmem>>[vector<16xi32>], vector<16xf32>, vector<16xi1>
          %max3A_92 = arith.maximumf %gather3A_91, %gather3A_39 : vector<16xf32>
          tpu.vector_store_idx %arg9[%add3A_53], %max3A_92 masked %eq3A_88 : memref<40960xf32, #tpu.memory_space<vmem>>[vector<16xi32>], vector<16xf32>, vector<16xi1>
          %gather3A_93 = tpu.vector_load_idx %arg9[%add3A_56] masked %eq3A_88 : memref<40960xf32, #tpu.memory_space<vmem>>[vector<16xi32>], vector<16xf32>, vector<16xi1>
          %max3A_94 = arith.maximumf %gather3A_93, %gather3A_43 : vector<16xf32>
          tpu.vector_store_idx %arg9[%add3A_56], %max3A_94 masked %eq3A_88 : memref<40960xf32, #tpu.memory_space<vmem>>[vector<16xi32>], vector<16xf32>, vector<16xi1>
          %gather3A_95 = tpu.vector_load_idx %arg9[%add3A_59] masked %eq3A_88 : memref<40960xf32, #tpu.memory_space<vmem>>[vector<16xi32>], vector<16xf32>, vector<16xi1>
          %max3A_96 = arith.maximumf %gather3A_95, %gather3A_47 : vector<16xf32>
          tpu.vector_store_idx %arg9[%add3A_59], %max3A_96 masked %eq3A_88 : memref<40960xf32, #tpu.memory_space<vmem>>[vector<16xi32>], vector<16xf32>, vector<16xi1>
          %eq3A_97 = arith.constant 3 : i32
          %eq3A_98 = vector.broadcast %eq3A_97 : i32 to vector<16xi32>
          %eq3A_99 = arith.cmpi eq, %iota3A, %eq3A_98 : vector<16xi32>
          %gather3A_100 = tpu.vector_load_idx %arg9[%add3A_50] masked %eq3A_99 : memref<40960xf32, #tpu.memory_space<vmem>>[vector<16xi32>], vector<16xf32>, vector<16xi1>
          %max3A_101 = arith.maximumf %gather3A_100, %gather3A_35 : vector<16xf32>
          tpu.vector_store_idx %arg9[%add3A_50], %max3A_101 masked %eq3A_99 : memref<40960xf32, #tpu.memory_space<vmem>>[vector<16xi32>], vector<16xf32>, vector<16xi1>
          %gather3A_102 = tpu.vector_load_idx %arg9[%add3A_53] masked %eq3A_99 : memref<40960xf32, #tpu.memory_space<vmem>>[vector<16xi32>], vector<16xf32>, vector<16xi1>
          %max3A_103 = arith.maximumf %gather3A_102, %gather3A_39 : vector<16xf32>
          tpu.vector_store_idx %arg9[%add3A_53], %max3A_103 masked %eq3A_99 : memref<40960xf32, #tpu.memory_space<vmem>>[vector<16xi32>], vector<16xf32>, vector<16xi1>
          %gather3A_104 = tpu.vector_load_idx %arg9[%add3A_56] masked %eq3A_99 : memref<40960xf32, #tpu.memory_space<vmem>>[vector<16xi32>], vector<16xf32>, vector<16xi1>
          %max3A_105 = arith.maximumf %gather3A_104, %gather3A_43 : vector<16xf32>
          tpu.vector_store_idx %arg9[%add3A_56], %max3A_105 masked %eq3A_99 : memref<40960xf32, #tpu.memory_space<vmem>>[vector<16xi32>], vector<16xf32>, vector<16xi1>
          %gather3A_106 = tpu.vector_load_idx %arg9[%add3A_59] masked %eq3A_99 : memref<40960xf32, #tpu.memory_space<vmem>>[vector<16xi32>], vector<16xf32>, vector<16xi1>
          %max3A_107 = arith.maximumf %gather3A_106, %gather3A_47 : vector<16xf32>
          tpu.vector_store_idx %arg9[%add3A_59], %max3A_107 masked %eq3A_99 : memref<40960xf32, #tpu.memory_space<vmem>>[vector<16xi32>], vector<16xf32>, vector<16xi1>
          %eq3A_108 = arith.constant 4 : i32
          %eq3A_109 = vector.broadcast %eq3A_108 : i32 to vector<16xi32>
          %eq3A_110 = arith.cmpi eq, %iota3A, %eq3A_109 : vector<16xi32>
          %gather3A_111 = tpu.vector_load_idx %arg9[%add3A_50] masked %eq3A_110 : memref<40960xf32, #tpu.memory_space<vmem>>[vector<16xi32>], vector<16xf32>, vector<16xi1>
          %max3A_112 = arith.maximumf %gather3A_111, %gather3A_35 : vector<16xf32>
          tpu.vector_store_idx %arg9[%add3A_50], %max3A_112 masked %eq3A_110 : memref<40960xf32, #tpu.memory_space<vmem>>[vector<16xi32>], vector<16xf32>, vector<16xi1>
          %gather3A_113 = tpu.vector_load_idx %arg9[%add3A_53] masked %eq3A_110 : memref<40960xf32, #tpu.memory_space<vmem>>[vector<16xi32>], vector<16xf32>, vector<16xi1>
          %max3A_114 = arith.maximumf %gather3A_113, %gather3A_39 : vector<16xf32>
          tpu.vector_store_idx %arg9[%add3A_53], %max3A_114 masked %eq3A_110 : memref<40960xf32, #tpu.memory_space<vmem>>[vector<16xi32>], vector<16xf32>, vector<16xi1>
          %gather3A_115 = tpu.vector_load_idx %arg9[%add3A_56] masked %eq3A_110 : memref<40960xf32, #tpu.memory_space<vmem>>[vector<16xi32>], vector<16xf32>, vector<16xi1>
          %max3A_116 = arith.maximumf %gather3A_115, %gather3A_43 : vector<16xf32>
          tpu.vector_store_idx %arg9[%add3A_56], %max3A_116 masked %eq3A_110 : memref<40960xf32, #tpu.memory_space<vmem>>[vector<16xi32>], vector<16xf32>, vector<16xi1>
          %gather3A_117 = tpu.vector_load_idx %arg9[%add3A_59] masked %eq3A_110 : memref<40960xf32, #tpu.memory_space<vmem>>[vector<16xi32>], vector<16xf32>, vector<16xi1>
          %max3A_118 = arith.maximumf %gather3A_117, %gather3A_47 : vector<16xf32>
          tpu.vector_store_idx %arg9[%add3A_59], %max3A_118 masked %eq3A_110 : memref<40960xf32, #tpu.memory_space<vmem>>[vector<16xi32>], vector<16xf32>, vector<16xi1>
          %eq3A_119 = arith.constant 5 : i32
          %eq3A_120 = vector.broadcast %eq3A_119 : i32 to vector<16xi32>
          %eq3A_121 = arith.cmpi eq, %iota3A, %eq3A_120 : vector<16xi32>
          %gather3A_122 = tpu.vector_load_idx %arg9[%add3A_50] masked %eq3A_121 : memref<40960xf32, #tpu.memory_space<vmem>>[vector<16xi32>], vector<16xf32>, vector<16xi1>
          %max3A_123 = arith.maximumf %gather3A_122, %gather3A_35 : vector<16xf32>
          tpu.vector_store_idx %arg9[%add3A_50], %max3A_123 masked %eq3A_121 : memref<40960xf32, #tpu.memory_space<vmem>>[vector<16xi32>], vector<16xf32>, vector<16xi1>
          %gather3A_124 = tpu.vector_load_idx %arg9[%add3A_53] masked %eq3A_121 : memref<40960xf32, #tpu.memory_space<vmem>>[vector<16xi32>], vector<16xf32>, vector<16xi1>
          %max3A_125 = arith.maximumf %gather3A_124, %gather3A_39 : vector<16xf32>
          tpu.vector_store_idx %arg9[%add3A_53], %max3A_125 masked %eq3A_121 : memref<40960xf32, #tpu.memory_space<vmem>>[vector<16xi32>], vector<16xf32>, vector<16xi1>
          %gather3A_126 = tpu.vector_load_idx %arg9[%add3A_56] masked %eq3A_121 : memref<40960xf32, #tpu.memory_space<vmem>>[vector<16xi32>], vector<16xf32>, vector<16xi1>
          %max3A_127 = arith.maximumf %gather3A_126, %gather3A_43 : vector<16xf32>
          tpu.vector_store_idx %arg9[%add3A_56], %max3A_127 masked %eq3A_121 : memref<40960xf32, #tpu.memory_space<vmem>>[vector<16xi32>], vector<16xf32>, vector<16xi1>
          %gather3A_128 = tpu.vector_load_idx %arg9[%add3A_59] masked %eq3A_121 : memref<40960xf32, #tpu.memory_space<vmem>>[vector<16xi32>], vector<16xf32>, vector<16xi1>
          %max3A_129 = arith.maximumf %gather3A_128, %gather3A_47 : vector<16xf32>
          tpu.vector_store_idx %arg9[%add3A_59], %max3A_129 masked %eq3A_121 : memref<40960xf32, #tpu.memory_space<vmem>>[vector<16xi32>], vector<16xf32>, vector<16xi1>
          %eq3A_130 = arith.constant 6 : i32
          %eq3A_131 = vector.broadcast %eq3A_130 : i32 to vector<16xi32>
          %eq3A_132 = arith.cmpi eq, %iota3A, %eq3A_131 : vector<16xi32>
          %gather3A_133 = tpu.vector_load_idx %arg9[%add3A_50] masked %eq3A_132 : memref<40960xf32, #tpu.memory_space<vmem>>[vector<16xi32>], vector<16xf32>, vector<16xi1>
          %max3A_134 = arith.maximumf %gather3A_133, %gather3A_35 : vector<16xf32>
          tpu.vector_store_idx %arg9[%add3A_50], %max3A_134 masked %eq3A_132 : memref<40960xf32, #tpu.memory_space<vmem>>[vector<16xi32>], vector<16xf32>, vector<16xi1>
          %gather3A_135 = tpu.vector_load_idx %arg9[%add3A_53] masked %eq3A_132 : memref<40960xf32, #tpu.memory_space<vmem>>[vector<16xi32>], vector<16xf32>, vector<16xi1>
          %max3A_136 = arith.maximumf %gather3A_135, %gather3A_39 : vector<16xf32>
          tpu.vector_store_idx %arg9[%add3A_53], %max3A_136 masked %eq3A_132 : memref<40960xf32, #tpu.memory_space<vmem>>[vector<16xi32>], vector<16xf32>, vector<16xi1>
          %gather3A_137 = tpu.vector_load_idx %arg9[%add3A_56] masked %eq3A_132 : memref<40960xf32, #tpu.memory_space<vmem>>[vector<16xi32>], vector<16xf32>, vector<16xi1>
          %max3A_138 = arith.maximumf %gather3A_137, %gather3A_43 : vector<16xf32>
          tpu.vector_store_idx %arg9[%add3A_56], %max3A_138 masked %eq3A_132 : memref<40960xf32, #tpu.memory_space<vmem>>[vector<16xi32>], vector<16xf32>, vector<16xi1>
          %gather3A_139 = tpu.vector_load_idx %arg9[%add3A_59] masked %eq3A_132 : memref<40960xf32, #tpu.memory_space<vmem>>[vector<16xi32>], vector<16xf32>, vector<16xi1>
          %max3A_140 = arith.maximumf %gather3A_139, %gather3A_47 : vector<16xf32>
          tpu.vector_store_idx %arg9[%add3A_59], %max3A_140 masked %eq3A_132 : memref<40960xf32, #tpu.memory_space<vmem>>[vector<16xi32>], vector<16xf32>, vector<16xi1>
          %eq3A_141 = arith.constant 7 : i32
          %eq3A_142 = vector.broadcast %eq3A_141 : i32 to vector<16xi32>
          %eq3A_143 = arith.cmpi eq, %iota3A, %eq3A_142 : vector<16xi32>
          %gather3A_144 = tpu.vector_load_idx %arg9[%add3A_50] masked %eq3A_143 : memref<40960xf32, #tpu.memory_space<vmem>>[vector<16xi32>], vector<16xf32>, vector<16xi1>
          %max3A_145 = arith.maximumf %gather3A_144, %gather3A_35 : vector<16xf32>
          tpu.vector_store_idx %arg9[%add3A_50], %max3A_145 masked %eq3A_143 : memref<40960xf32, #tpu.memory_space<vmem>>[vector<16xi32>], vector<16xf32>, vector<16xi1>
          %gather3A_146 = tpu.vector_load_idx %arg9[%add3A_53] masked %eq3A_143 : memref<40960xf32, #tpu.memory_space<vmem>>[vector<16xi32>], vector<16xf32>, vector<16xi1>
          %max3A_147 = arith.maximumf %gather3A_146, %gather3A_39 : vector<16xf32>
          tpu.vector_store_idx %arg9[%add3A_53], %max3A_147 masked %eq3A_143 : memref<40960xf32, #tpu.memory_space<vmem>>[vector<16xi32>], vector<16xf32>, vector<16xi1>
          %gather3A_148 = tpu.vector_load_idx %arg9[%add3A_56] masked %eq3A_143 : memref<40960xf32, #tpu.memory_space<vmem>>[vector<16xi32>], vector<16xf32>, vector<16xi1>
          %max3A_149 = arith.maximumf %gather3A_148, %gather3A_43 : vector<16xf32>
          tpu.vector_store_idx %arg9[%add3A_56], %max3A_149 masked %eq3A_143 : memref<40960xf32, #tpu.memory_space<vmem>>[vector<16xi32>], vector<16xf32>, vector<16xi1>
          %gather3A_150 = tpu.vector_load_idx %arg9[%add3A_59] masked %eq3A_143 : memref<40960xf32, #tpu.memory_space<vmem>>[vector<16xi32>], vector<16xf32>, vector<16xi1>
          %max3A_151 = arith.maximumf %gather3A_150, %gather3A_47 : vector<16xf32>
          tpu.vector_store_idx %arg9[%add3A_59], %max3A_151 masked %eq3A_143 : memref<40960xf32, #tpu.memory_space<vmem>>[vector<16xi32>], vector<16xf32>, vector<16xi1>
          %eq3A_152 = arith.constant 8 : i32
          %eq3A_153 = vector.broadcast %eq3A_152 : i32 to vector<16xi32>
          %eq3A_154 = arith.cmpi eq, %iota3A, %eq3A_153 : vector<16xi32>
          %gather3A_155 = tpu.vector_load_idx %arg9[%add3A_50] masked %eq3A_154 : memref<40960xf32, #tpu.memory_space<vmem>>[vector<16xi32>], vector<16xf32>, vector<16xi1>
          %max3A_156 = arith.maximumf %gather3A_155, %gather3A_35 : vector<16xf32>
          tpu.vector_store_idx %arg9[%add3A_50], %max3A_156 masked %eq3A_154 : memref<40960xf32, #tpu.memory_space<vmem>>[vector<16xi32>], vector<16xf32>, vector<16xi1>
          %gather3A_157 = tpu.vector_load_idx %arg9[%add3A_53] masked %eq3A_154 : memref<40960xf32, #tpu.memory_space<vmem>>[vector<16xi32>], vector<16xf32>, vector<16xi1>
          %max3A_158 = arith.maximumf %gather3A_157, %gather3A_39 : vector<16xf32>
          tpu.vector_store_idx %arg9[%add3A_53], %max3A_158 masked %eq3A_154 : memref<40960xf32, #tpu.memory_space<vmem>>[vector<16xi32>], vector<16xf32>, vector<16xi1>
          %gather3A_159 = tpu.vector_load_idx %arg9[%add3A_56] masked %eq3A_154 : memref<40960xf32, #tpu.memory_space<vmem>>[vector<16xi32>], vector<16xf32>, vector<16xi1>
          %max3A_160 = arith.maximumf %gather3A_159, %gather3A_43 : vector<16xf32>
          tpu.vector_store_idx %arg9[%add3A_56], %max3A_160 masked %eq3A_154 : memref<40960xf32, #tpu.memory_space<vmem>>[vector<16xi32>], vector<16xf32>, vector<16xi1>
          %gather3A_161 = tpu.vector_load_idx %arg9[%add3A_59] masked %eq3A_154 : memref<40960xf32, #tpu.memory_space<vmem>>[vector<16xi32>], vector<16xf32>, vector<16xi1>
          %max3A_162 = arith.maximumf %gather3A_161, %gather3A_47 : vector<16xf32>
          tpu.vector_store_idx %arg9[%add3A_59], %max3A_162 masked %eq3A_154 : memref<40960xf32, #tpu.memory_space<vmem>>[vector<16xi32>], vector<16xf32>, vector<16xi1>
          %eq3A_163 = arith.constant 9 : i32
          %eq3A_164 = vector.broadcast %eq3A_163 : i32 to vector<16xi32>
          %eq3A_165 = arith.cmpi eq, %iota3A, %eq3A_164 : vector<16xi32>
          %gather3A_166 = tpu.vector_load_idx %arg9[%add3A_50] masked %eq3A_165 : memref<40960xf32, #tpu.memory_space<vmem>>[vector<16xi32>], vector<16xf32>, vector<16xi1>
          %max3A_167 = arith.maximumf %gather3A_166, %gather3A_35 : vector<16xf32>
          tpu.vector_store_idx %arg9[%add3A_50], %max3A_167 masked %eq3A_165 : memref<40960xf32, #tpu.memory_space<vmem>>[vector<16xi32>], vector<16xf32>, vector<16xi1>
          %gather3A_168 = tpu.vector_load_idx %arg9[%add3A_53] masked %eq3A_165 : memref<40960xf32, #tpu.memory_space<vmem>>[vector<16xi32>], vector<16xf32>, vector<16xi1>
          %max3A_169 = arith.maximumf %gather3A_168, %gather3A_39 : vector<16xf32>
          tpu.vector_store_idx %arg9[%add3A_53], %max3A_169 masked %eq3A_165 : memref<40960xf32, #tpu.memory_space<vmem>>[vector<16xi32>], vector<16xf32>, vector<16xi1>
          %gather3A_170 = tpu.vector_load_idx %arg9[%add3A_56] masked %eq3A_165 : memref<40960xf32, #tpu.memory_space<vmem>>[vector<16xi32>], vector<16xf32>, vector<16xi1>
          %max3A_171 = arith.maximumf %gather3A_170, %gather3A_43 : vector<16xf32>
          tpu.vector_store_idx %arg9[%add3A_56], %max3A_171 masked %eq3A_165 : memref<40960xf32, #tpu.memory_space<vmem>>[vector<16xi32>], vector<16xf32>, vector<16xi1>
          %gather3A_172 = tpu.vector_load_idx %arg9[%add3A_59] masked %eq3A_165 : memref<40960xf32, #tpu.memory_space<vmem>>[vector<16xi32>], vector<16xf32>, vector<16xi1>
          %max3A_173 = arith.maximumf %gather3A_172, %gather3A_47 : vector<16xf32>
          tpu.vector_store_idx %arg9[%add3A_59], %max3A_173 masked %eq3A_165 : memref<40960xf32, #tpu.memory_space<vmem>>[vector<16xi32>], vector<16xf32>, vector<16xi1>
          %eq3A_174 = arith.constant 10 : i32
          %eq3A_175 = vector.broadcast %eq3A_174 : i32 to vector<16xi32>
          %eq3A_176 = arith.cmpi eq, %iota3A, %eq3A_175 : vector<16xi32>
          %gather3A_177 = tpu.vector_load_idx %arg9[%add3A_50] masked %eq3A_176 : memref<40960xf32, #tpu.memory_space<vmem>>[vector<16xi32>], vector<16xf32>, vector<16xi1>
          %max3A_178 = arith.maximumf %gather3A_177, %gather3A_35 : vector<16xf32>
          tpu.vector_store_idx %arg9[%add3A_50], %max3A_178 masked %eq3A_176 : memref<40960xf32, #tpu.memory_space<vmem>>[vector<16xi32>], vector<16xf32>, vector<16xi1>
          %gather3A_179 = tpu.vector_load_idx %arg9[%add3A_53] masked %eq3A_176 : memref<40960xf32, #tpu.memory_space<vmem>>[vector<16xi32>], vector<16xf32>, vector<16xi1>
          %max3A_180 = arith.maximumf %gather3A_179, %gather3A_39 : vector<16xf32>
          tpu.vector_store_idx %arg9[%add3A_53], %max3A_180 masked %eq3A_176 : memref<40960xf32, #tpu.memory_space<vmem>>[vector<16xi32>], vector<16xf32>, vector<16xi1>
          %gather3A_181 = tpu.vector_load_idx %arg9[%add3A_56] masked %eq3A_176 : memref<40960xf32, #tpu.memory_space<vmem>>[vector<16xi32>], vector<16xf32>, vector<16xi1>
          %max3A_182 = arith.maximumf %gather3A_181, %gather3A_43 : vector<16xf32>
          tpu.vector_store_idx %arg9[%add3A_56], %max3A_182 masked %eq3A_176 : memref<40960xf32, #tpu.memory_space<vmem>>[vector<16xi32>], vector<16xf32>, vector<16xi1>
          %gather3A_183 = tpu.vector_load_idx %arg9[%add3A_59] masked %eq3A_176 : memref<40960xf32, #tpu.memory_space<vmem>>[vector<16xi32>], vector<16xf32>, vector<16xi1>
          %max3A_184 = arith.maximumf %gather3A_183, %gather3A_47 : vector<16xf32>
          tpu.vector_store_idx %arg9[%add3A_59], %max3A_184 masked %eq3A_176 : memref<40960xf32, #tpu.memory_space<vmem>>[vector<16xi32>], vector<16xf32>, vector<16xi1>
          %eq3A_185 = arith.constant 11 : i32
          %eq3A_186 = vector.broadcast %eq3A_185 : i32 to vector<16xi32>
          %eq3A_187 = arith.cmpi eq, %iota3A, %eq3A_186 : vector<16xi32>
          %gather3A_188 = tpu.vector_load_idx %arg9[%add3A_50] masked %eq3A_187 : memref<40960xf32, #tpu.memory_space<vmem>>[vector<16xi32>], vector<16xf32>, vector<16xi1>
          %max3A_189 = arith.maximumf %gather3A_188, %gather3A_35 : vector<16xf32>
          tpu.vector_store_idx %arg9[%add3A_50], %max3A_189 masked %eq3A_187 : memref<40960xf32, #tpu.memory_space<vmem>>[vector<16xi32>], vector<16xf32>, vector<16xi1>
          %gather3A_190 = tpu.vector_load_idx %arg9[%add3A_53] masked %eq3A_187 : memref<40960xf32, #tpu.memory_space<vmem>>[vector<16xi32>], vector<16xf32>, vector<16xi1>
          %max3A_191 = arith.maximumf %gather3A_190, %gather3A_39 : vector<16xf32>
          tpu.vector_store_idx %arg9[%add3A_53], %max3A_191 masked %eq3A_187 : memref<40960xf32, #tpu.memory_space<vmem>>[vector<16xi32>], vector<16xf32>, vector<16xi1>
          %gather3A_192 = tpu.vector_load_idx %arg9[%add3A_56] masked %eq3A_187 : memref<40960xf32, #tpu.memory_space<vmem>>[vector<16xi32>], vector<16xf32>, vector<16xi1>
          %max3A_193 = arith.maximumf %gather3A_192, %gather3A_43 : vector<16xf32>
          tpu.vector_store_idx %arg9[%add3A_56], %max3A_193 masked %eq3A_187 : memref<40960xf32, #tpu.memory_space<vmem>>[vector<16xi32>], vector<16xf32>, vector<16xi1>
          %gather3A_194 = tpu.vector_load_idx %arg9[%add3A_59] masked %eq3A_187 : memref<40960xf32, #tpu.memory_space<vmem>>[vector<16xi32>], vector<16xf32>, vector<16xi1>
          %max3A_195 = arith.maximumf %gather3A_194, %gather3A_47 : vector<16xf32>
          tpu.vector_store_idx %arg9[%add3A_59], %max3A_195 masked %eq3A_187 : memref<40960xf32, #tpu.memory_space<vmem>>[vector<16xi32>], vector<16xf32>, vector<16xi1>
          %eq3A_196 = arith.constant 12 : i32
          %eq3A_197 = vector.broadcast %eq3A_196 : i32 to vector<16xi32>
          %eq3A_198 = arith.cmpi eq, %iota3A, %eq3A_197 : vector<16xi32>
          %gather3A_199 = tpu.vector_load_idx %arg9[%add3A_50] masked %eq3A_198 : memref<40960xf32, #tpu.memory_space<vmem>>[vector<16xi32>], vector<16xf32>, vector<16xi1>
          %max3A_200 = arith.maximumf %gather3A_199, %gather3A_35 : vector<16xf32>
          tpu.vector_store_idx %arg9[%add3A_50], %max3A_200 masked %eq3A_198 : memref<40960xf32, #tpu.memory_space<vmem>>[vector<16xi32>], vector<16xf32>, vector<16xi1>
          %gather3A_201 = tpu.vector_load_idx %arg9[%add3A_53] masked %eq3A_198 : memref<40960xf32, #tpu.memory_space<vmem>>[vector<16xi32>], vector<16xf32>, vector<16xi1>
          %max3A_202 = arith.maximumf %gather3A_201, %gather3A_39 : vector<16xf32>
          tpu.vector_store_idx %arg9[%add3A_53], %max3A_202 masked %eq3A_198 : memref<40960xf32, #tpu.memory_space<vmem>>[vector<16xi32>], vector<16xf32>, vector<16xi1>
          %gather3A_203 = tpu.vector_load_idx %arg9[%add3A_56] masked %eq3A_198 : memref<40960xf32, #tpu.memory_space<vmem>>[vector<16xi32>], vector<16xf32>, vector<16xi1>
          %max3A_204 = arith.maximumf %gather3A_203, %gather3A_43 : vector<16xf32>
          tpu.vector_store_idx %arg9[%add3A_56], %max3A_204 masked %eq3A_198 : memref<40960xf32, #tpu.memory_space<vmem>>[vector<16xi32>], vector<16xf32>, vector<16xi1>
          %gather3A_205 = tpu.vector_load_idx %arg9[%add3A_59] masked %eq3A_198 : memref<40960xf32, #tpu.memory_space<vmem>>[vector<16xi32>], vector<16xf32>, vector<16xi1>
          %max3A_206 = arith.maximumf %gather3A_205, %gather3A_47 : vector<16xf32>
          tpu.vector_store_idx %arg9[%add3A_59], %max3A_206 masked %eq3A_198 : memref<40960xf32, #tpu.memory_space<vmem>>[vector<16xi32>], vector<16xf32>, vector<16xi1>
          %eq3A_207 = arith.constant 13 : i32
          %eq3A_208 = vector.broadcast %eq3A_207 : i32 to vector<16xi32>
          %eq3A_209 = arith.cmpi eq, %iota3A, %eq3A_208 : vector<16xi32>
          %gather3A_210 = tpu.vector_load_idx %arg9[%add3A_50] masked %eq3A_209 : memref<40960xf32, #tpu.memory_space<vmem>>[vector<16xi32>], vector<16xf32>, vector<16xi1>
          %max3A_211 = arith.maximumf %gather3A_210, %gather3A_35 : vector<16xf32>
          tpu.vector_store_idx %arg9[%add3A_50], %max3A_211 masked %eq3A_209 : memref<40960xf32, #tpu.memory_space<vmem>>[vector<16xi32>], vector<16xf32>, vector<16xi1>
          %gather3A_212 = tpu.vector_load_idx %arg9[%add3A_53] masked %eq3A_209 : memref<40960xf32, #tpu.memory_space<vmem>>[vector<16xi32>], vector<16xf32>, vector<16xi1>
          %max3A_213 = arith.maximumf %gather3A_212, %gather3A_39 : vector<16xf32>
          tpu.vector_store_idx %arg9[%add3A_53], %max3A_213 masked %eq3A_209 : memref<40960xf32, #tpu.memory_space<vmem>>[vector<16xi32>], vector<16xf32>, vector<16xi1>
          %gather3A_214 = tpu.vector_load_idx %arg9[%add3A_56] masked %eq3A_209 : memref<40960xf32, #tpu.memory_space<vmem>>[vector<16xi32>], vector<16xf32>, vector<16xi1>
          %max3A_215 = arith.maximumf %gather3A_214, %gather3A_43 : vector<16xf32>
          tpu.vector_store_idx %arg9[%add3A_56], %max3A_215 masked %eq3A_209 : memref<40960xf32, #tpu.memory_space<vmem>>[vector<16xi32>], vector<16xf32>, vector<16xi1>
          %gather3A_216 = tpu.vector_load_idx %arg9[%add3A_59] masked %eq3A_209 : memref<40960xf32, #tpu.memory_space<vmem>>[vector<16xi32>], vector<16xf32>, vector<16xi1>
          %max3A_217 = arith.maximumf %gather3A_216, %gather3A_47 : vector<16xf32>
          tpu.vector_store_idx %arg9[%add3A_59], %max3A_217 masked %eq3A_209 : memref<40960xf32, #tpu.memory_space<vmem>>[vector<16xi32>], vector<16xf32>, vector<16xi1>
          %eq3A_218 = arith.constant 14 : i32
          %eq3A_219 = vector.broadcast %eq3A_218 : i32 to vector<16xi32>
          %eq3A_220 = arith.cmpi eq, %iota3A, %eq3A_219 : vector<16xi32>
          %gather3A_221 = tpu.vector_load_idx %arg9[%add3A_50] masked %eq3A_220 : memref<40960xf32, #tpu.memory_space<vmem>>[vector<16xi32>], vector<16xf32>, vector<16xi1>
          %max3A_222 = arith.maximumf %gather3A_221, %gather3A_35 : vector<16xf32>
          tpu.vector_store_idx %arg9[%add3A_50], %max3A_222 masked %eq3A_220 : memref<40960xf32, #tpu.memory_space<vmem>>[vector<16xi32>], vector<16xf32>, vector<16xi1>
          %gather3A_223 = tpu.vector_load_idx %arg9[%add3A_53] masked %eq3A_220 : memref<40960xf32, #tpu.memory_space<vmem>>[vector<16xi32>], vector<16xf32>, vector<16xi1>
          %max3A_224 = arith.maximumf %gather3A_223, %gather3A_39 : vector<16xf32>
          tpu.vector_store_idx %arg9[%add3A_53], %max3A_224 masked %eq3A_220 : memref<40960xf32, #tpu.memory_space<vmem>>[vector<16xi32>], vector<16xf32>, vector<16xi1>
          %gather3A_225 = tpu.vector_load_idx %arg9[%add3A_56] masked %eq3A_220 : memref<40960xf32, #tpu.memory_space<vmem>>[vector<16xi32>], vector<16xf32>, vector<16xi1>
          %max3A_226 = arith.maximumf %gather3A_225, %gather3A_43 : vector<16xf32>
          tpu.vector_store_idx %arg9[%add3A_56], %max3A_226 masked %eq3A_220 : memref<40960xf32, #tpu.memory_space<vmem>>[vector<16xi32>], vector<16xf32>, vector<16xi1>
          %gather3A_227 = tpu.vector_load_idx %arg9[%add3A_59] masked %eq3A_220 : memref<40960xf32, #tpu.memory_space<vmem>>[vector<16xi32>], vector<16xf32>, vector<16xi1>
          %max3A_228 = arith.maximumf %gather3A_227, %gather3A_47 : vector<16xf32>
          tpu.vector_store_idx %arg9[%add3A_59], %max3A_228 masked %eq3A_220 : memref<40960xf32, #tpu.memory_space<vmem>>[vector<16xi32>], vector<16xf32>, vector<16xi1>
          %eq3A_229 = arith.constant 15 : i32
          %eq3A_230 = vector.broadcast %eq3A_229 : i32 to vector<16xi32>
          %eq3A_231 = arith.cmpi eq, %iota3A, %eq3A_230 : vector<16xi32>
          %gather3A_232 = tpu.vector_load_idx %arg9[%add3A_50] masked %eq3A_231 : memref<40960xf32, #tpu.memory_space<vmem>>[vector<16xi32>], vector<16xf32>, vector<16xi1>
          %max3A_233 = arith.maximumf %gather3A_232, %gather3A_35 : vector<16xf32>
          tpu.vector_store_idx %arg9[%add3A_50], %max3A_233 masked %eq3A_231 : memref<40960xf32, #tpu.memory_space<vmem>>[vector<16xi32>], vector<16xf32>, vector<16xi1>
          %gather3A_234 = tpu.vector_load_idx %arg9[%add3A_53] masked %eq3A_231 : memref<40960xf32, #tpu.memory_space<vmem>>[vector<16xi32>], vector<16xf32>, vector<16xi1>
          %max3A_235 = arith.maximumf %gather3A_234, %gather3A_39 : vector<16xf32>
          tpu.vector_store_idx %arg9[%add3A_53], %max3A_235 masked %eq3A_231 : memref<40960xf32, #tpu.memory_space<vmem>>[vector<16xi32>], vector<16xf32>, vector<16xi1>
          %gather3A_236 = tpu.vector_load_idx %arg9[%add3A_56] masked %eq3A_231 : memref<40960xf32, #tpu.memory_space<vmem>>[vector<16xi32>], vector<16xf32>, vector<16xi1>
          %max3A_237 = arith.maximumf %gather3A_236, %gather3A_43 : vector<16xf32>
          tpu.vector_store_idx %arg9[%add3A_56], %max3A_237 masked %eq3A_231 : memref<40960xf32, #tpu.memory_space<vmem>>[vector<16xi32>], vector<16xf32>, vector<16xi1>
          %gather3A_238 = tpu.vector_load_idx %arg9[%add3A_59] masked %eq3A_231 : memref<40960xf32, #tpu.memory_space<vmem>>[vector<16xi32>], vector<16xf32>, vector<16xi1>
          %max3A_239 = arith.maximumf %gather3A_238, %gather3A_47 : vector<16xf32>
          tpu.vector_store_idx %arg9[%add3A_59], %max3A_239 masked %eq3A_231 : memref<40960xf32, #tpu.memory_space<vmem>>[vector<16xi32>], vector<16xf32>, vector<16xi1>
        } else {
        }
      }
      %scan3A_22 = arith.constant 125 : i32
    }
    %scan3A_13 = arith.constant 160 : i32
    "tpu.region"() ({
      %run_scoped3A = tpu.sem_alloc : memref<!tpu.dma_semaphore, #tpu.memory_space<semaphore_mem>>
      %dma_start3A = tpu.memref_slice %arg5[%multiple_of3A] : memref<1310720xf32, #tpu.memory_space<hbm>> -> memref<40960xf32, #tpu.memory_space<hbm>>
      %dma_start3A_14 = tpu.memref_slice %arg5[%multiple_of3A] : memref<1310720xf32, #tpu.memory_space<hbm>> -> memref<40960xf32, #tpu.memory_space<hbm>>
      tpu.enqueue_dma source(%arg9 : memref<40960xf32, #tpu.memory_space<vmem>>) target(%dma_start3A_14 : memref<40960xf32, #tpu.memory_space<hbm>>) target_semaphore(%run_scoped3A : memref<!tpu.dma_semaphore, #tpu.memory_space<semaphore_mem>>)
      %dma_wait3A = tpu.memref_slice %arg5[%multiple_of3A] : memref<1310720xf32, #tpu.memory_space<hbm>> -> memref<40960xf32, #tpu.memory_space<hbm>>
      %dma_wait3A_15 = tpu.memref_slice %arg5[%multiple_of3A] : memref<1310720xf32, #tpu.memory_space<hbm>> -> memref<40960xf32, #tpu.memory_space<hbm>>
      tpu.wait_dma2 semaphore(%run_scoped3A : memref<!tpu.dma_semaphore, #tpu.memory_space<semaphore_mem>>) src(%arg9 : memref<40960xf32, #tpu.memory_space<vmem>>) dst(%dma_wait3A_15 : memref<40960xf32, #tpu.memory_space<hbm>>)
      tpu.yield
    }) : () -> ()
    return
  }
}

#map = affine_map<(d0, d1) -> (0)>
module attributes {stable_mosaic.version = 14 : i64} {
  func.func @_segmax_body(%arg0: i32, %arg1: i32, %arg2: memref<1310720xf32, #tpu.memory_space<hbm>>, %arg3: memref<320000xi32, #tpu.memory_space<hbm>>, %arg4: memref<320000xi32, #tpu.memory_space<hbm>>, %arg5: memref<1310720xf32, #tpu.memory_space<hbm>>, %arg6: memref<2000xi32, #tpu.memory_space<vmem>>, %arg7: memref<2000xi32, #tpu.memory_space<vmem>>, %arg8: memref<40960xf32, #tpu.memory_space<vmem>>, %arg9: memref<40960xf32, #tpu.memory_space<vmem>>, %arg10: memref<10240xi32, #tpu.memory_space<vmem>>) attributes {dimension_semantics = [#tpu.dimension_semantics<core_parallel>, #tpu.dimension_semantics<subcore_parallel>], iteration_bounds = array<i64: 2, 16>, scalar_prefetch = 0 : i64, scratch_operands = 5 : i64, tpu.core_type = #tpu.core_type<sc_vector_subcore>, window_params = [{transform_indices = #map}, {transform_indices = #map}, {transform_indices = #map}, {transform_indices = #map}]} {
    %mul3A = arith.constant 2 : i32
    %mul3A_0 = arith.muli %arg1, %mul3A : i32
    %add3A = arith.addi %mul3A_0, %arg0 : i32
    %iota3A = tpu.iota {dimensions = array<i32: 0>} : vector<16xi32>
    %mul3A_1 = arith.constant 40960 : i32
    %mul3A_2 = arith.muli %add3A, %mul3A_1 : i32
    %multiple_of3A = tpu.assume_multiple %mul3A_2, 40960 : i32
    "tpu.region"() ({
      %run_scoped3A = tpu.sem_alloc : memref<!tpu.dma_semaphore, #tpu.memory_space<semaphore_mem>>
      %dma_start3A = tpu.memref_slice %arg2[%multiple_of3A] : memref<1310720xf32, #tpu.memory_space<hbm>> -> memref<40960xf32, #tpu.memory_space<hbm>>
      %dma_start3A_14 = tpu.memref_slice %arg2[%multiple_of3A] : memref<1310720xf32, #tpu.memory_space<hbm>> -> memref<40960xf32, #tpu.memory_space<hbm>>
      tpu.enqueue_dma source(%dma_start3A_14 : memref<40960xf32, #tpu.memory_space<hbm>>) target(%arg8 : memref<40960xf32, #tpu.memory_space<vmem>>) target_semaphore(%run_scoped3A : memref<!tpu.dma_semaphore, #tpu.memory_space<semaphore_mem>>)
      %dma_wait3A = tpu.memref_slice %arg2[%multiple_of3A] : memref<1310720xf32, #tpu.memory_space<hbm>> -> memref<40960xf32, #tpu.memory_space<hbm>>
      %dma_wait3A_15 = tpu.memref_slice %arg2[%multiple_of3A] : memref<1310720xf32, #tpu.memory_space<hbm>> -> memref<40960xf32, #tpu.memory_space<hbm>>
      tpu.wait_dma2 semaphore(%run_scoped3A : memref<!tpu.dma_semaphore, #tpu.memory_space<semaphore_mem>>) src(%dma_wait3A_15 : memref<40960xf32, #tpu.memory_space<hbm>>) dst(%arg8 : memref<40960xf32, #tpu.memory_space<vmem>>)
      tpu.yield
    }) : () -> ()
    %scan3A = arith.constant 0 : i32
    %scan3A_3 = arith.constant 0 : i32
    %scan3A_4 = arith.constant 2560 : i32
    %scan3A_5 = arith.addi %scan3A_3, %scan3A_4 : i32
    %scan3A_6 = arith.constant 1 : i32
    scf.for %scan3A_14 = %scan3A_3 to %scan3A_5 step %scan3A_6  : i32 {
      %broadcast_in_dim3A = arith.constant 0.000000e+00 : f32
      %broadcast_in_dim3A_15 = vector.broadcast %broadcast_in_dim3A : f32 to vector<16xf32>
      %mul3A_16 = arith.constant 16 : i32
      %mul3A_17 = arith.muli %scan3A_14, %mul3A_16 : i32
      %swap3A = arith.index_cast %mul3A_17 : i32 to index
      %swap3A_18 = tpu.vector_load %arg9[%swap3A] {strides = array<i32>} : memref<40960xf32, #tpu.memory_space<vmem>>, vector<16xf32>,
      tpu.vector_store %arg9[%swap3A], %broadcast_in_dim3A_15 {strides = array<i32>} : memref<40960xf32, #tpu.memory_space<vmem>>, vector<16xf32>,
    }
    %scan3A_7 = arith.constant 2560 : i32
    %scan3A_8 = arith.constant 0 : i32
    %scan3A_9 = arith.constant 0 : i32
    %scan3A_10 = arith.constant 160 : i32
    %scan3A_11 = arith.addi %scan3A_9, %scan3A_10 : i32
    %scan3A_12 = arith.constant 1 : i32
    scf.for %scan3A_14 = %scan3A_9 to %scan3A_11 step %scan3A_12  : i32 {
      %mul3A_15 = arith.constant 2000 : i32
      %mul3A_16 = arith.muli %scan3A_14, %mul3A_15 : i32
      %multiple_of3A_17 = tpu.assume_multiple %mul3A_16, 2000 : i32
      "tpu.region"() ({
        %run_scoped3A = tpu.sem_alloc : memref<!tpu.dma_semaphore, #tpu.memory_space<semaphore_mem>>
        %dma_start3A = tpu.memref_slice %arg3[%multiple_of3A_17] : memref<320000xi32, #tpu.memory_space<hbm>> -> memref<2000xi32, #tpu.memory_space<hbm>>
        %dma_start3A_23 = tpu.memref_slice %arg3[%multiple_of3A_17] : memref<320000xi32, #tpu.memory_space<hbm>> -> memref<2000xi32, #tpu.memory_space<hbm>>
        tpu.enqueue_dma source(%dma_start3A_23 : memref<2000xi32, #tpu.memory_space<hbm>>) target(%arg6 : memref<2000xi32, #tpu.memory_space<vmem>>) target_semaphore(%run_scoped3A : memref<!tpu.dma_semaphore, #tpu.memory_space<semaphore_mem>>)
        %dma_wait3A = tpu.memref_slice %arg3[%multiple_of3A_17] : memref<320000xi32, #tpu.memory_space<hbm>> -> memref<2000xi32, #tpu.memory_space<hbm>>
        %dma_wait3A_24 = tpu.memref_slice %arg3[%multiple_of3A_17] : memref<320000xi32, #tpu.memory_space<hbm>> -> memref<2000xi32, #tpu.memory_space<hbm>>
        tpu.wait_dma2 semaphore(%run_scoped3A : memref<!tpu.dma_semaphore, #tpu.memory_space<semaphore_mem>>) src(%dma_wait3A_24 : memref<2000xi32, #tpu.memory_space<hbm>>) dst(%arg6 : memref<2000xi32, #tpu.memory_space<vmem>>)
        tpu.yield
      }) : () -> ()
      "tpu.region"() ({
        %run_scoped3A = tpu.sem_alloc : memref<!tpu.dma_semaphore, #tpu.memory_space<semaphore_mem>>
        %dma_start3A = tpu.memref_slice %arg4[%multiple_of3A_17] : memref<320000xi32, #tpu.memory_space<hbm>> -> memref<2000xi32, #tpu.memory_space<hbm>>
        %dma_start3A_23 = tpu.memref_slice %arg4[%multiple_of3A_17] : memref<320000xi32, #tpu.memory_space<hbm>> -> memref<2000xi32, #tpu.memory_space<hbm>>
        tpu.enqueue_dma source(%dma_start3A_23 : memref<2000xi32, #tpu.memory_space<hbm>>) target(%arg7 : memref<2000xi32, #tpu.memory_space<vmem>>) target_semaphore(%run_scoped3A : memref<!tpu.dma_semaphore, #tpu.memory_space<semaphore_mem>>)
        %dma_wait3A = tpu.memref_slice %arg4[%multiple_of3A_17] : memref<320000xi32, #tpu.memory_space<hbm>> -> memref<2000xi32, #tpu.memory_space<hbm>>
        %dma_wait3A_24 = tpu.memref_slice %arg4[%multiple_of3A_17] : memref<320000xi32, #tpu.memory_space<hbm>> -> memref<2000xi32, #tpu.memory_space<hbm>>
        tpu.wait_dma2 semaphore(%run_scoped3A : memref<!tpu.dma_semaphore, #tpu.memory_space<semaphore_mem>>) src(%dma_wait3A_24 : memref<2000xi32, #tpu.memory_space<hbm>>) dst(%arg7 : memref<2000xi32, #tpu.memory_space<vmem>>)
        tpu.yield
      }) : () -> ()
      %scan3A_18 = arith.constant 0 : i32
      %scan3A_19 = arith.constant 125 : i32
      %scan3A_20 = arith.addi %scan3A_18, %scan3A_19 : i32
      %scan3A_21 = arith.constant 1 : i32
      scf.for %scan3A_23 = %scan3A_18 to %scan3A_20 step %scan3A_21  : i32 {
        %mul3A_24 = arith.constant 16 : i32
        %mul3A_25 = arith.muli %scan3A_23, %mul3A_24 : i32
        %get3A = arith.index_cast %mul3A_25 : i32 to index
        %get3A_26 = tpu.vector_load %arg6[%get3A] {strides = array<i32>} : memref<2000xi32, #tpu.memory_space<vmem>>, vector<16xi32>,
        %mul3A_27 = arith.constant 16 : i32
        %mul3A_28 = arith.muli %scan3A_23, %mul3A_27 : i32
        %get3A_29 = arith.index_cast %mul3A_28 : i32 to index
        %get3A_30 = tpu.vector_load %arg7[%get3A_29] {strides = array<i32>} : memref<2000xi32, #tpu.memory_space<vmem>>, vector<16xi32>,
        tpu.vector_store_idx %arg10[%get3A_30], %iota3A : memref<10240xi32, #tpu.memory_space<vmem>>[vector<16xi32>], vector<16xi32>,
        %gather3A = tpu.vector_load_idx %arg10[%get3A_30] : memref<10240xi32, #tpu.memory_space<vmem>>[vector<16xi32>], vector<16xi32>,
        %ne3A = arith.cmpi ne, %gather3A, %iota3A : vector<16xi32>
        %all_reduce_population_count3A = tpu.all_reduce %ne3A {dim = 0 : i64, kind = #tpu.reduction_kind<sum>} : vector<16xi1> -> vector<16xi32>
        %slice3A = vector.extract_strided_slice %all_reduce_population_count3A {offsets = [0], sizes = [1], strides = [1]} : vector<16xi32> to vector<1xi32>
        %squeeze3A = vector.extract %slice3A[0] : i32 from vector<1xi32>
        %eq3A = arith.constant 0 : i32
        %eq3A_31 = arith.cmpi eq, %squeeze3A, %eq3A : i32
        %add3A_32 = arith.constant 0 : i32
        %add3A_33 = vector.broadcast %add3A_32 : i32 to vector<16xi32>
        %add3A_34 = arith.addi %add3A_33, %get3A_26 : vector<16xi32>
        %gather3A_35 = tpu.vector_load_idx %arg8[%add3A_34] : memref<40960xf32, #tpu.memory_space<vmem>>[vector<16xi32>], vector<16xf32>,
        %add3A_36 = arith.constant 10240 : i32
        %add3A_37 = vector.broadcast %add3A_36 : i32 to vector<16xi32>
        %add3A_38 = arith.addi %add3A_37, %get3A_26 : vector<16xi32>
        %gather3A_39 = tpu.vector_load_idx %arg8[%add3A_38] : memref<40960xf32, #tpu.memory_space<vmem>>[vector<16xi32>], vector<16xf32>,
        %add3A_40 = arith.constant 20480 : i32
        %add3A_41 = vector.broadcast %add3A_40 : i32 to vector<16xi32>
        %add3A_42 = arith.addi %add3A_41, %get3A_26 : vector<16xi32>
        %gather3A_43 = tpu.vector_load_idx %arg8[%add3A_42] : memref<40960xf32, #tpu.memory_space<vmem>>[vector<16xi32>], vector<16xf32>,
        %add3A_44 = arith.constant 30720 : i32
        %add3A_45 = vector.broadcast %add3A_44 : i32 to vector<16xi32>
        %add3A_46 = arith.addi %add3A_45, %get3A_26 : vector<16xi32>
        %gather3A_47 = tpu.vector_load_idx %arg8[%add3A_46] : memref<40960xf32, #tpu.memory_space<vmem>>[vector<16xi32>], vector<16xf32>,
        %add3A_48 = arith.constant 0 : i32
        %add3A_49 = vector.broadcast %add3A_48 : i32 to vector<16xi32>
        %add3A_50 = arith.addi %add3A_49, %get3A_30 : vector<16xi32>
        %add3A_51 = arith.constant 10240 : i32
        %add3A_52 = vector.broadcast %add3A_51 : i32 to vector<16xi32>
        %add3A_53 = arith.addi %add3A_52, %get3A_30 : vector<16xi32>
        %add3A_54 = arith.constant 20480 : i32
        %add3A_55 = vector.broadcast %add3A_54 : i32 to vector<16xi32>
        %add3A_56 = arith.addi %add3A_55, %get3A_30 : vector<16xi32>
        %add3A_57 = arith.constant 30720 : i32
        %add3A_58 = vector.broadcast %add3A_57 : i32 to vector<16xi32>
        %add3A_59 = arith.addi %add3A_58, %get3A_30 : vector<16xi32>
        %convert_element_type3A = arith.extui %eq3A_31 : i1 to i32
        %cond3A = arith.constant 0 : i32
        %cond3A_60 = arith.cmpi ne, %convert_element_type3A, %cond3A : i32
        scf.if %cond3A_60 {
          %gather3A_65 = tpu.vector_load_idx %arg9[%add3A_50] : memref<40960xf32, #tpu.memory_space<vmem>>[vector<16xi32>], vector<16xf32>,
          %max3A = arith.maximumf %gather3A_65, %gather3A_35 : vector<16xf32>
          tpu.vector_store_idx %arg9[%add3A_50], %max3A : memref<40960xf32, #tpu.memory_space<vmem>>[vector<16xi32>], vector<16xf32>,
          %gather3A_66 = tpu.vector_load_idx %arg9[%add3A_53] : memref<40960xf32, #tpu.memory_space<vmem>>[vector<16xi32>], vector<16xf32>,
          %max3A_67 = arith.maximumf %gather3A_66, %gather3A_39 : vector<16xf32>
          tpu.vector_store_idx %arg9[%add3A_53], %max3A_67 : memref<40960xf32, #tpu.memory_space<vmem>>[vector<16xi32>], vector<16xf32>,
          %gather3A_68 = tpu.vector_load_idx %arg9[%add3A_56] : memref<40960xf32, #tpu.memory_space<vmem>>[vector<16xi32>], vector<16xf32>,
          %max3A_69 = arith.maximumf %gather3A_68, %gather3A_43 : vector<16xf32>
          tpu.vector_store_idx %arg9[%add3A_56], %max3A_69 : memref<40960xf32, #tpu.memory_space<vmem>>[vector<16xi32>], vector<16xf32>,
          %gather3A_70 = tpu.vector_load_idx %arg9[%add3A_59] : memref<40960xf32, #tpu.memory_space<vmem>>[vector<16xi32>], vector<16xf32>,
          %max3A_71 = arith.maximumf %gather3A_70, %gather3A_47 : vector<16xf32>
          tpu.vector_store_idx %arg9[%add3A_59], %max3A_71 : memref<40960xf32, #tpu.memory_space<vmem>>[vector<16xi32>], vector<16xf32>,
        } else {
        }
        %not3A = arith.constant true
        %not3A_61 = arith.xori %eq3A_31, %not3A : i1
        %convert_element_type3A_62 = arith.extui %not3A_61 : i1 to i32
        %cond3A_63 = arith.constant 0 : i32
        %cond3A_64 = arith.cmpi ne, %convert_element_type3A_62, %cond3A_63 : i32
        scf.if %cond3A_64 {
          %eq3A_65 = arith.constant 0 : i32
          %eq3A_66 = vector.broadcast %eq3A_65 : i32 to vector<16xi32>
          %eq3A_67 = arith.cmpi eq, %iota3A, %eq3A_66 : vector<16xi32>
          %gather3A_68 = tpu.vector_load_idx %arg9[%add3A_50] masked %eq3A_67 : memref<40960xf32, #tpu.memory_space<vmem>>[vector<16xi32>], vector<16xf32>, vector<16xi1>
          %max3A = arith.maximumf %gather3A_68, %gather3A_35 : vector<16xf32>
          tpu.vector_store_idx %arg9[%add3A_50], %max3A masked %eq3A_67 : memref<40960xf32, #tpu.memory_space<vmem>>[vector<16xi32>], vector<16xf32>, vector<16xi1>
          %gather3A_69 = tpu.vector_load_idx %arg9[%add3A_53] masked %eq3A_67 : memref<40960xf32, #tpu.memory_space<vmem>>[vector<16xi32>], vector<16xf32>, vector<16xi1>
          %max3A_70 = arith.maximumf %gather3A_69, %gather3A_39 : vector<16xf32>
          tpu.vector_store_idx %arg9[%add3A_53], %max3A_70 masked %eq3A_67 : memref<40960xf32, #tpu.memory_space<vmem>>[vector<16xi32>], vector<16xf32>, vector<16xi1>
          %gather3A_71 = tpu.vector_load_idx %arg9[%add3A_56] masked %eq3A_67 : memref<40960xf32, #tpu.memory_space<vmem>>[vector<16xi32>], vector<16xf32>, vector<16xi1>
          %max3A_72 = arith.maximumf %gather3A_71, %gather3A_43 : vector<16xf32>
          tpu.vector_store_idx %arg9[%add3A_56], %max3A_72 masked %eq3A_67 : memref<40960xf32, #tpu.memory_space<vmem>>[vector<16xi32>], vector<16xf32>, vector<16xi1>
          %gather3A_73 = tpu.vector_load_idx %arg9[%add3A_59] masked %eq3A_67 : memref<40960xf32, #tpu.memory_space<vmem>>[vector<16xi32>], vector<16xf32>, vector<16xi1>
          %max3A_74 = arith.maximumf %gather3A_73, %gather3A_47 : vector<16xf32>
          tpu.vector_store_idx %arg9[%add3A_59], %max3A_74 masked %eq3A_67 : memref<40960xf32, #tpu.memory_space<vmem>>[vector<16xi32>], vector<16xf32>, vector<16xi1>
          %eq3A_75 = arith.constant 1 : i32
          %eq3A_76 = vector.broadcast %eq3A_75 : i32 to vector<16xi32>
          %eq3A_77 = arith.cmpi eq, %iota3A, %eq3A_76 : vector<16xi32>
          %gather3A_78 = tpu.vector_load_idx %arg9[%add3A_50] masked %eq3A_77 : memref<40960xf32, #tpu.memory_space<vmem>>[vector<16xi32>], vector<16xf32>, vector<16xi1>
          %max3A_79 = arith.maximumf %gather3A_78, %gather3A_35 : vector<16xf32>
          tpu.vector_store_idx %arg9[%add3A_50], %max3A_79 masked %eq3A_77 : memref<40960xf32, #tpu.memory_space<vmem>>[vector<16xi32>], vector<16xf32>, vector<16xi1>
          %gather3A_80 = tpu.vector_load_idx %arg9[%add3A_53] masked %eq3A_77 : memref<40960xf32, #tpu.memory_space<vmem>>[vector<16xi32>], vector<16xf32>, vector<16xi1>
          %max3A_81 = arith.maximumf %gather3A_80, %gather3A_39 : vector<16xf32>
          tpu.vector_store_idx %arg9[%add3A_53], %max3A_81 masked %eq3A_77 : memref<40960xf32, #tpu.memory_space<vmem>>[vector<16xi32>], vector<16xf32>, vector<16xi1>
          %gather3A_82 = tpu.vector_load_idx %arg9[%add3A_56] masked %eq3A_77 : memref<40960xf32, #tpu.memory_space<vmem>>[vector<16xi32>], vector<16xf32>, vector<16xi1>
          %max3A_83 = arith.maximumf %gather3A_82, %gather3A_43 : vector<16xf32>
          tpu.vector_store_idx %arg9[%add3A_56], %max3A_83 masked %eq3A_77 : memref<40960xf32, #tpu.memory_space<vmem>>[vector<16xi32>], vector<16xf32>, vector<16xi1>
          %gather3A_84 = tpu.vector_load_idx %arg9[%add3A_59] masked %eq3A_77 : memref<40960xf32, #tpu.memory_space<vmem>>[vector<16xi32>], vector<16xf32>, vector<16xi1>
          %max3A_85 = arith.maximumf %gather3A_84, %gather3A_47 : vector<16xf32>
          tpu.vector_store_idx %arg9[%add3A_59], %max3A_85 masked %eq3A_77 : memref<40960xf32, #tpu.memory_space<vmem>>[vector<16xi32>], vector<16xf32>, vector<16xi1>
          %eq3A_86 = arith.constant 2 : i32
          %eq3A_87 = vector.broadcast %eq3A_86 : i32 to vector<16xi32>
          %eq3A_88 = arith.cmpi eq, %iota3A, %eq3A_87 : vector<16xi32>
          %gather3A_89 = tpu.vector_load_idx %arg9[%add3A_50] masked %eq3A_88 : memref<40960xf32, #tpu.memory_space<vmem>>[vector<16xi32>], vector<16xf32>, vector<16xi1>
          %max3A_90 = arith.maximumf %gather3A_89, %gather3A_35 : vector<16xf32>
          tpu.vector_store_idx %arg9[%add3A_50], %max3A_90 masked %eq3A_88 : memref<40960xf32, #tpu.memory_space<vmem>>[vector<16xi32>], vector<16xf32>, vector<16xi1>
          %gather3A_91 = tpu.vector_load_idx %arg9[%add3A_53] masked %eq3A_88 : memref<40960xf32, #tpu.memory_space<vmem>>[vector<16xi32>], vector<16xf32>, vector<16xi1>
          %max3A_92 = arith.maximumf %gather3A_91, %gather3A_39 : vector<16xf32>
          tpu.vector_store_idx %arg9[%add3A_53], %max3A_92 masked %eq3A_88 : memref<40960xf32, #tpu.memory_space<vmem>>[vector<16xi32>], vector<16xf32>, vector<16xi1>
          %gather3A_93 = tpu.vector_load_idx %arg9[%add3A_56] masked %eq3A_88 : memref<40960xf32, #tpu.memory_space<vmem>>[vector<16xi32>], vector<16xf32>, vector<16xi1>
          %max3A_94 = arith.maximumf %gather3A_93, %gather3A_43 : vector<16xf32>
          tpu.vector_store_idx %arg9[%add3A_56], %max3A_94 masked %eq3A_88 : memref<40960xf32, #tpu.memory_space<vmem>>[vector<16xi32>], vector<16xf32>, vector<16xi1>
          %gather3A_95 = tpu.vector_load_idx %arg9[%add3A_59] masked %eq3A_88 : memref<40960xf32, #tpu.memory_space<vmem>>[vector<16xi32>], vector<16xf32>, vector<16xi1>
          %max3A_96 = arith.maximumf %gather3A_95, %gather3A_47 : vector<16xf32>
          tpu.vector_store_idx %arg9[%add3A_59], %max3A_96 masked %eq3A_88 : memref<40960xf32, #tpu.memory_space<vmem>>[vector<16xi32>], vector<16xf32>, vector<16xi1>
          %eq3A_97 = arith.constant 3 : i32
          %eq3A_98 = vector.broadcast %eq3A_97 : i32 to vector<16xi32>
          %eq3A_99 = arith.cmpi eq, %iota3A, %eq3A_98 : vector<16xi32>
          %gather3A_100 = tpu.vector_load_idx %arg9[%add3A_50] masked %eq3A_99 : memref<40960xf32, #tpu.memory_space<vmem>>[vector<16xi32>], vector<16xf32>, vector<16xi1>
          %max3A_101 = arith.maximumf %gather3A_100, %gather3A_35 : vector<16xf32>
          tpu.vector_store_idx %arg9[%add3A_50], %max3A_101 masked %eq3A_99 : memref<40960xf32, #tpu.memory_space<vmem>>[vector<16xi32>], vector<16xf32>, vector<16xi1>
          %gather3A_102 = tpu.vector_load_idx %arg9[%add3A_53] masked %eq3A_99 : memref<40960xf32, #tpu.memory_space<vmem>>[vector<16xi32>], vector<16xf32>, vector<16xi1>
          %max3A_103 = arith.maximumf %gather3A_102, %gather3A_39 : vector<16xf32>
          tpu.vector_store_idx %arg9[%add3A_53], %max3A_103 masked %eq3A_99 : memref<40960xf32, #tpu.memory_space<vmem>>[vector<16xi32>], vector<16xf32>, vector<16xi1>
          %gather3A_104 = tpu.vector_load_idx %arg9[%add3A_56] masked %eq3A_99 : memref<40960xf32, #tpu.memory_space<vmem>>[vector<16xi32>], vector<16xf32>, vector<16xi1>
          %max3A_105 = arith.maximumf %gather3A_104, %gather3A_43 : vector<16xf32>
          tpu.vector_store_idx %arg9[%add3A_56], %max3A_105 masked %eq3A_99 : memref<40960xf32, #tpu.memory_space<vmem>>[vector<16xi32>], vector<16xf32>, vector<16xi1>
          %gather3A_106 = tpu.vector_load_idx %arg9[%add3A_59] masked %eq3A_99 : memref<40960xf32, #tpu.memory_space<vmem>>[vector<16xi32>], vector<16xf32>, vector<16xi1>
          %max3A_107 = arith.maximumf %gather3A_106, %gather3A_47 : vector<16xf32>
          tpu.vector_store_idx %arg9[%add3A_59], %max3A_107 masked %eq3A_99 : memref<40960xf32, #tpu.memory_space<vmem>>[vector<16xi32>], vector<16xf32>, vector<16xi1>
          %eq3A_108 = arith.constant 4 : i32
          %eq3A_109 = vector.broadcast %eq3A_108 : i32 to vector<16xi32>
          %eq3A_110 = arith.cmpi eq, %iota3A, %eq3A_109 : vector<16xi32>
          %gather3A_111 = tpu.vector_load_idx %arg9[%add3A_50] masked %eq3A_110 : memref<40960xf32, #tpu.memory_space<vmem>>[vector<16xi32>], vector<16xf32>, vector<16xi1>
          %max3A_112 = arith.maximumf %gather3A_111, %gather3A_35 : vector<16xf32>
          tpu.vector_store_idx %arg9[%add3A_50], %max3A_112 masked %eq3A_110 : memref<40960xf32, #tpu.memory_space<vmem>>[vector<16xi32>], vector<16xf32>, vector<16xi1>
          %gather3A_113 = tpu.vector_load_idx %arg9[%add3A_53] masked %eq3A_110 : memref<40960xf32, #tpu.memory_space<vmem>>[vector<16xi32>], vector<16xf32>, vector<16xi1>
          %max3A_114 = arith.maximumf %gather3A_113, %gather3A_39 : vector<16xf32>
          tpu.vector_store_idx %arg9[%add3A_53], %max3A_114 masked %eq3A_110 : memref<40960xf32, #tpu.memory_space<vmem>>[vector<16xi32>], vector<16xf32>, vector<16xi1>
          %gather3A_115 = tpu.vector_load_idx %arg9[%add3A_56] masked %eq3A_110 : memref<40960xf32, #tpu.memory_space<vmem>>[vector<16xi32>], vector<16xf32>, vector<16xi1>
          %max3A_116 = arith.maximumf %gather3A_115, %gather3A_43 : vector<16xf32>
          tpu.vector_store_idx %arg9[%add3A_56], %max3A_116 masked %eq3A_110 : memref<40960xf32, #tpu.memory_space<vmem>>[vector<16xi32>], vector<16xf32>, vector<16xi1>
          %gather3A_117 = tpu.vector_load_idx %arg9[%add3A_59] masked %eq3A_110 : memref<40960xf32, #tpu.memory_space<vmem>>[vector<16xi32>], vector<16xf32>, vector<16xi1>
          %max3A_118 = arith.maximumf %gather3A_117, %gather3A_47 : vector<16xf32>
          tpu.vector_store_idx %arg9[%add3A_59], %max3A_118 masked %eq3A_110 : memref<40960xf32, #tpu.memory_space<vmem>>[vector<16xi32>], vector<16xf32>, vector<16xi1>
          %eq3A_119 = arith.constant 5 : i32
          %eq3A_120 = vector.broadcast %eq3A_119 : i32 to vector<16xi32>
          %eq3A_121 = arith.cmpi eq, %iota3A, %eq3A_120 : vector<16xi32>
          %gather3A_122 = tpu.vector_load_idx %arg9[%add3A_50] masked %eq3A_121 : memref<40960xf32, #tpu.memory_space<vmem>>[vector<16xi32>], vector<16xf32>, vector<16xi1>
          %max3A_123 = arith.maximumf %gather3A_122, %gather3A_35 : vector<16xf32>
          tpu.vector_store_idx %arg9[%add3A_50], %max3A_123 masked %eq3A_121 : memref<40960xf32, #tpu.memory_space<vmem>>[vector<16xi32>], vector<16xf32>, vector<16xi1>
          %gather3A_124 = tpu.vector_load_idx %arg9[%add3A_53] masked %eq3A_121 : memref<40960xf32, #tpu.memory_space<vmem>>[vector<16xi32>], vector<16xf32>, vector<16xi1>
          %max3A_125 = arith.maximumf %gather3A_124, %gather3A_39 : vector<16xf32>
          tpu.vector_store_idx %arg9[%add3A_53], %max3A_125 masked %eq3A_121 : memref<40960xf32, #tpu.memory_space<vmem>>[vector<16xi32>], vector<16xf32>, vector<16xi1>
          %gather3A_126 = tpu.vector_load_idx %arg9[%add3A_56] masked %eq3A_121 : memref<40960xf32, #tpu.memory_space<vmem>>[vector<16xi32>], vector<16xf32>, vector<16xi1>
          %max3A_127 = arith.maximumf %gather3A_126, %gather3A_43 : vector<16xf32>
          tpu.vector_store_idx %arg9[%add3A_56], %max3A_127 masked %eq3A_121 : memref<40960xf32, #tpu.memory_space<vmem>>[vector<16xi32>], vector<16xf32>, vector<16xi1>
          %gather3A_128 = tpu.vector_load_idx %arg9[%add3A_59] masked %eq3A_121 : memref<40960xf32, #tpu.memory_space<vmem>>[vector<16xi32>], vector<16xf32>, vector<16xi1>
          %max3A_129 = arith.maximumf %gather3A_128, %gather3A_47 : vector<16xf32>
          tpu.vector_store_idx %arg9[%add3A_59], %max3A_129 masked %eq3A_121 : memref<40960xf32, #tpu.memory_space<vmem>>[vector<16xi32>], vector<16xf32>, vector<16xi1>
          %eq3A_130 = arith.constant 6 : i32
          %eq3A_131 = vector.broadcast %eq3A_130 : i32 to vector<16xi32>
          %eq3A_132 = arith.cmpi eq, %iota3A, %eq3A_131 : vector<16xi32>
          %gather3A_133 = tpu.vector_load_idx %arg9[%add3A_50] masked %eq3A_132 : memref<40960xf32, #tpu.memory_space<vmem>>[vector<16xi32>], vector<16xf32>, vector<16xi1>
          %max3A_134 = arith.maximumf %gather3A_133, %gather3A_35 : vector<16xf32>
          tpu.vector_store_idx %arg9[%add3A_50], %max3A_134 masked %eq3A_132 : memref<40960xf32, #tpu.memory_space<vmem>>[vector<16xi32>], vector<16xf32>, vector<16xi1>
          %gather3A_135 = tpu.vector_load_idx %arg9[%add3A_53] masked %eq3A_132 : memref<40960xf32, #tpu.memory_space<vmem>>[vector<16xi32>], vector<16xf32>, vector<16xi1>
          %max3A_136 = arith.maximumf %gather3A_135, %gather3A_39 : vector<16xf32>
          tpu.vector_store_idx %arg9[%add3A_53], %max3A_136 masked %eq3A_132 : memref<40960xf32, #tpu.memory_space<vmem>>[vector<16xi32>], vector<16xf32>, vector<16xi1>
          %gather3A_137 = tpu.vector_load_idx %arg9[%add3A_56] masked %eq3A_132 : memref<40960xf32, #tpu.memory_space<vmem>>[vector<16xi32>], vector<16xf32>, vector<16xi1>
          %max3A_138 = arith.maximumf %gather3A_137, %gather3A_43 : vector<16xf32>
          tpu.vector_store_idx %arg9[%add3A_56], %max3A_138 masked %eq3A_132 : memref<40960xf32, #tpu.memory_space<vmem>>[vector<16xi32>], vector<16xf32>, vector<16xi1>
          %gather3A_139 = tpu.vector_load_idx %arg9[%add3A_59] masked %eq3A_132 : memref<40960xf32, #tpu.memory_space<vmem>>[vector<16xi32>], vector<16xf32>, vector<16xi1>
          %max3A_140 = arith.maximumf %gather3A_139, %gather3A_47 : vector<16xf32>
          tpu.vector_store_idx %arg9[%add3A_59], %max3A_140 masked %eq3A_132 : memref<40960xf32, #tpu.memory_space<vmem>>[vector<16xi32>], vector<16xf32>, vector<16xi1>
          %eq3A_141 = arith.constant 7 : i32
          %eq3A_142 = vector.broadcast %eq3A_141 : i32 to vector<16xi32>
          %eq3A_143 = arith.cmpi eq, %iota3A, %eq3A_142 : vector<16xi32>
          %gather3A_144 = tpu.vector_load_idx %arg9[%add3A_50] masked %eq3A_143 : memref<40960xf32, #tpu.memory_space<vmem>>[vector<16xi32>], vector<16xf32>, vector<16xi1>
          %max3A_145 = arith.maximumf %gather3A_144, %gather3A_35 : vector<16xf32>
          tpu.vector_store_idx %arg9[%add3A_50], %max3A_145 masked %eq3A_143 : memref<40960xf32, #tpu.memory_space<vmem>>[vector<16xi32>], vector<16xf32>, vector<16xi1>
          %gather3A_146 = tpu.vector_load_idx %arg9[%add3A_53] masked %eq3A_143 : memref<40960xf32, #tpu.memory_space<vmem>>[vector<16xi32>], vector<16xf32>, vector<16xi1>
          %max3A_147 = arith.maximumf %gather3A_146, %gather3A_39 : vector<16xf32>
          tpu.vector_store_idx %arg9[%add3A_53], %max3A_147 masked %eq3A_143 : memref<40960xf32, #tpu.memory_space<vmem>>[vector<16xi32>], vector<16xf32>, vector<16xi1>
          %gather3A_148 = tpu.vector_load_idx %arg9[%add3A_56] masked %eq3A_143 : memref<40960xf32, #tpu.memory_space<vmem>>[vector<16xi32>], vector<16xf32>, vector<16xi1>
          %max3A_149 = arith.maximumf %gather3A_148, %gather3A_43 : vector<16xf32>
          tpu.vector_store_idx %arg9[%add3A_56], %max3A_149 masked %eq3A_143 : memref<40960xf32, #tpu.memory_space<vmem>>[vector<16xi32>], vector<16xf32>, vector<16xi1>
          %gather3A_150 = tpu.vector_load_idx %arg9[%add3A_59] masked %eq3A_143 : memref<40960xf32, #tpu.memory_space<vmem>>[vector<16xi32>], vector<16xf32>, vector<16xi1>
          %max3A_151 = arith.maximumf %gather3A_150, %gather3A_47 : vector<16xf32>
          tpu.vector_store_idx %arg9[%add3A_59], %max3A_151 masked %eq3A_143 : memref<40960xf32, #tpu.memory_space<vmem>>[vector<16xi32>], vector<16xf32>, vector<16xi1>
          %eq3A_152 = arith.constant 8 : i32
          %eq3A_153 = vector.broadcast %eq3A_152 : i32 to vector<16xi32>
          %eq3A_154 = arith.cmpi eq, %iota3A, %eq3A_153 : vector<16xi32>
          %gather3A_155 = tpu.vector_load_idx %arg9[%add3A_50] masked %eq3A_154 : memref<40960xf32, #tpu.memory_space<vmem>>[vector<16xi32>], vector<16xf32>, vector<16xi1>
          %max3A_156 = arith.maximumf %gather3A_155, %gather3A_35 : vector<16xf32>
          tpu.vector_store_idx %arg9[%add3A_50], %max3A_156 masked %eq3A_154 : memref<40960xf32, #tpu.memory_space<vmem>>[vector<16xi32>], vector<16xf32>, vector<16xi1>
          %gather3A_157 = tpu.vector_load_idx %arg9[%add3A_53] masked %eq3A_154 : memref<40960xf32, #tpu.memory_space<vmem>>[vector<16xi32>], vector<16xf32>, vector<16xi1>
          %max3A_158 = arith.maximumf %gather3A_157, %gather3A_39 : vector<16xf32>
          tpu.vector_store_idx %arg9[%add3A_53], %max3A_158 masked %eq3A_154 : memref<40960xf32, #tpu.memory_space<vmem>>[vector<16xi32>], vector<16xf32>, vector<16xi1>
          %gather3A_159 = tpu.vector_load_idx %arg9[%add3A_56] masked %eq3A_154 : memref<40960xf32, #tpu.memory_space<vmem>>[vector<16xi32>], vector<16xf32>, vector<16xi1>
          %max3A_160 = arith.maximumf %gather3A_159, %gather3A_43 : vector<16xf32>
          tpu.vector_store_idx %arg9[%add3A_56], %max3A_160 masked %eq3A_154 : memref<40960xf32, #tpu.memory_space<vmem>>[vector<16xi32>], vector<16xf32>, vector<16xi1>
          %gather3A_161 = tpu.vector_load_idx %arg9[%add3A_59] masked %eq3A_154 : memref<40960xf32, #tpu.memory_space<vmem>>[vector<16xi32>], vector<16xf32>, vector<16xi1>
          %max3A_162 = arith.maximumf %gather3A_161, %gather3A_47 : vector<16xf32>
          tpu.vector_store_idx %arg9[%add3A_59], %max3A_162 masked %eq3A_154 : memref<40960xf32, #tpu.memory_space<vmem>>[vector<16xi32>], vector<16xf32>, vector<16xi1>
          %eq3A_163 = arith.constant 9 : i32
          %eq3A_164 = vector.broadcast %eq3A_163 : i32 to vector<16xi32>
          %eq3A_165 = arith.cmpi eq, %iota3A, %eq3A_164 : vector<16xi32>
          %gather3A_166 = tpu.vector_load_idx %arg9[%add3A_50] masked %eq3A_165 : memref<40960xf32, #tpu.memory_space<vmem>>[vector<16xi32>], vector<16xf32>, vector<16xi1>
          %max3A_167 = arith.maximumf %gather3A_166, %gather3A_35 : vector<16xf32>
          tpu.vector_store_idx %arg9[%add3A_50], %max3A_167 masked %eq3A_165 : memref<40960xf32, #tpu.memory_space<vmem>>[vector<16xi32>], vector<16xf32>, vector<16xi1>
          %gather3A_168 = tpu.vector_load_idx %arg9[%add3A_53] masked %eq3A_165 : memref<40960xf32, #tpu.memory_space<vmem>>[vector<16xi32>], vector<16xf32>, vector<16xi1>
          %max3A_169 = arith.maximumf %gather3A_168, %gather3A_39 : vector<16xf32>
          tpu.vector_store_idx %arg9[%add3A_53], %max3A_169 masked %eq3A_165 : memref<40960xf32, #tpu.memory_space<vmem>>[vector<16xi32>], vector<16xf32>, vector<16xi1>
          %gather3A_170 = tpu.vector_load_idx %arg9[%add3A_56] masked %eq3A_165 : memref<40960xf32, #tpu.memory_space<vmem>>[vector<16xi32>], vector<16xf32>, vector<16xi1>
          %max3A_171 = arith.maximumf %gather3A_170, %gather3A_43 : vector<16xf32>
          tpu.vector_store_idx %arg9[%add3A_56], %max3A_171 masked %eq3A_165 : memref<40960xf32, #tpu.memory_space<vmem>>[vector<16xi32>], vector<16xf32>, vector<16xi1>
          %gather3A_172 = tpu.vector_load_idx %arg9[%add3A_59] masked %eq3A_165 : memref<40960xf32, #tpu.memory_space<vmem>>[vector<16xi32>], vector<16xf32>, vector<16xi1>
          %max3A_173 = arith.maximumf %gather3A_172, %gather3A_47 : vector<16xf32>
          tpu.vector_store_idx %arg9[%add3A_59], %max3A_173 masked %eq3A_165 : memref<40960xf32, #tpu.memory_space<vmem>>[vector<16xi32>], vector<16xf32>, vector<16xi1>
          %eq3A_174 = arith.constant 10 : i32
          %eq3A_175 = vector.broadcast %eq3A_174 : i32 to vector<16xi32>
          %eq3A_176 = arith.cmpi eq, %iota3A, %eq3A_175 : vector<16xi32>
          %gather3A_177 = tpu.vector_load_idx %arg9[%add3A_50] masked %eq3A_176 : memref<40960xf32, #tpu.memory_space<vmem>>[vector<16xi32>], vector<16xf32>, vector<16xi1>
          %max3A_178 = arith.maximumf %gather3A_177, %gather3A_35 : vector<16xf32>
          tpu.vector_store_idx %arg9[%add3A_50], %max3A_178 masked %eq3A_176 : memref<40960xf32, #tpu.memory_space<vmem>>[vector<16xi32>], vector<16xf32>, vector<16xi1>
          %gather3A_179 = tpu.vector_load_idx %arg9[%add3A_53] masked %eq3A_176 : memref<40960xf32, #tpu.memory_space<vmem>>[vector<16xi32>], vector<16xf32>, vector<16xi1>
          %max3A_180 = arith.maximumf %gather3A_179, %gather3A_39 : vector<16xf32>
          tpu.vector_store_idx %arg9[%add3A_53], %max3A_180 masked %eq3A_176 : memref<40960xf32, #tpu.memory_space<vmem>>[vector<16xi32>], vector<16xf32>, vector<16xi1>
          %gather3A_181 = tpu.vector_load_idx %arg9[%add3A_56] masked %eq3A_176 : memref<40960xf32, #tpu.memory_space<vmem>>[vector<16xi32>], vector<16xf32>, vector<16xi1>
          %max3A_182 = arith.maximumf %gather3A_181, %gather3A_43 : vector<16xf32>
          tpu.vector_store_idx %arg9[%add3A_56], %max3A_182 masked %eq3A_176 : memref<40960xf32, #tpu.memory_space<vmem>>[vector<16xi32>], vector<16xf32>, vector<16xi1>
          %gather3A_183 = tpu.vector_load_idx %arg9[%add3A_59] masked %eq3A_176 : memref<40960xf32, #tpu.memory_space<vmem>>[vector<16xi32>], vector<16xf32>, vector<16xi1>
          %max3A_184 = arith.maximumf %gather3A_183, %gather3A_47 : vector<16xf32>
          tpu.vector_store_idx %arg9[%add3A_59], %max3A_184 masked %eq3A_176 : memref<40960xf32, #tpu.memory_space<vmem>>[vector<16xi32>], vector<16xf32>, vector<16xi1>
          %eq3A_185 = arith.constant 11 : i32
          %eq3A_186 = vector.broadcast %eq3A_185 : i32 to vector<16xi32>
          %eq3A_187 = arith.cmpi eq, %iota3A, %eq3A_186 : vector<16xi32>
          %gather3A_188 = tpu.vector_load_idx %arg9[%add3A_50] masked %eq3A_187 : memref<40960xf32, #tpu.memory_space<vmem>>[vector<16xi32>], vector<16xf32>, vector<16xi1>
          %max3A_189 = arith.maximumf %gather3A_188, %gather3A_35 : vector<16xf32>
          tpu.vector_store_idx %arg9[%add3A_50], %max3A_189 masked %eq3A_187 : memref<40960xf32, #tpu.memory_space<vmem>>[vector<16xi32>], vector<16xf32>, vector<16xi1>
          %gather3A_190 = tpu.vector_load_idx %arg9[%add3A_53] masked %eq3A_187 : memref<40960xf32, #tpu.memory_space<vmem>>[vector<16xi32>], vector<16xf32>, vector<16xi1>
          %max3A_191 = arith.maximumf %gather3A_190, %gather3A_39 : vector<16xf32>
          tpu.vector_store_idx %arg9[%add3A_53], %max3A_191 masked %eq3A_187 : memref<40960xf32, #tpu.memory_space<vmem>>[vector<16xi32>], vector<16xf32>, vector<16xi1>
          %gather3A_192 = tpu.vector_load_idx %arg9[%add3A_56] masked %eq3A_187 : memref<40960xf32, #tpu.memory_space<vmem>>[vector<16xi32>], vector<16xf32>, vector<16xi1>
          %max3A_193 = arith.maximumf %gather3A_192, %gather3A_43 : vector<16xf32>
          tpu.vector_store_idx %arg9[%add3A_56], %max3A_193 masked %eq3A_187 : memref<40960xf32, #tpu.memory_space<vmem>>[vector<16xi32>], vector<16xf32>, vector<16xi1>
          %gather3A_194 = tpu.vector_load_idx %arg9[%add3A_59] masked %eq3A_187 : memref<40960xf32, #tpu.memory_space<vmem>>[vector<16xi32>], vector<16xf32>, vector<16xi1>
          %max3A_195 = arith.maximumf %gather3A_194, %gather3A_47 : vector<16xf32>
          tpu.vector_store_idx %arg9[%add3A_59], %max3A_195 masked %eq3A_187 : memref<40960xf32, #tpu.memory_space<vmem>>[vector<16xi32>], vector<16xf32>, vector<16xi1>
          %eq3A_196 = arith.constant 12 : i32
          %eq3A_197 = vector.broadcast %eq3A_196 : i32 to vector<16xi32>
          %eq3A_198 = arith.cmpi eq, %iota3A, %eq3A_197 : vector<16xi32>
          %gather3A_199 = tpu.vector_load_idx %arg9[%add3A_50] masked %eq3A_198 : memref<40960xf32, #tpu.memory_space<vmem>>[vector<16xi32>], vector<16xf32>, vector<16xi1>
          %max3A_200 = arith.maximumf %gather3A_199, %gather3A_35 : vector<16xf32>
          tpu.vector_store_idx %arg9[%add3A_50], %max3A_200 masked %eq3A_198 : memref<40960xf32, #tpu.memory_space<vmem>>[vector<16xi32>], vector<16xf32>, vector<16xi1>
          %gather3A_201 = tpu.vector_load_idx %arg9[%add3A_53] masked %eq3A_198 : memref<40960xf32, #tpu.memory_space<vmem>>[vector<16xi32>], vector<16xf32>, vector<16xi1>
          %max3A_202 = arith.maximumf %gather3A_201, %gather3A_39 : vector<16xf32>
          tpu.vector_store_idx %arg9[%add3A_53], %max3A_202 masked %eq3A_198 : memref<40960xf32, #tpu.memory_space<vmem>>[vector<16xi32>], vector<16xf32>, vector<16xi1>
          %gather3A_203 = tpu.vector_load_idx %arg9[%add3A_56] masked %eq3A_198 : memref<40960xf32, #tpu.memory_space<vmem>>[vector<16xi32>], vector<16xf32>, vector<16xi1>
          %max3A_204 = arith.maximumf %gather3A_203, %gather3A_43 : vector<16xf32>
          tpu.vector_store_idx %arg9[%add3A_56], %max3A_204 masked %eq3A_198 : memref<40960xf32, #tpu.memory_space<vmem>>[vector<16xi32>], vector<16xf32>, vector<16xi1>
          %gather3A_205 = tpu.vector_load_idx %arg9[%add3A_59] masked %eq3A_198 : memref<40960xf32, #tpu.memory_space<vmem>>[vector<16xi32>], vector<16xf32>, vector<16xi1>
          %max3A_206 = arith.maximumf %gather3A_205, %gather3A_47 : vector<16xf32>
          tpu.vector_store_idx %arg9[%add3A_59], %max3A_206 masked %eq3A_198 : memref<40960xf32, #tpu.memory_space<vmem>>[vector<16xi32>], vector<16xf32>, vector<16xi1>
          %eq3A_207 = arith.constant 13 : i32
          %eq3A_208 = vector.broadcast %eq3A_207 : i32 to vector<16xi32>
          %eq3A_209 = arith.cmpi eq, %iota3A, %eq3A_208 : vector<16xi32>
          %gather3A_210 = tpu.vector_load_idx %arg9[%add3A_50] masked %eq3A_209 : memref<40960xf32, #tpu.memory_space<vmem>>[vector<16xi32>], vector<16xf32>, vector<16xi1>
          %max3A_211 = arith.maximumf %gather3A_210, %gather3A_35 : vector<16xf32>
          tpu.vector_store_idx %arg9[%add3A_50], %max3A_211 masked %eq3A_209 : memref<40960xf32, #tpu.memory_space<vmem>>[vector<16xi32>], vector<16xf32>, vector<16xi1>
          %gather3A_212 = tpu.vector_load_idx %arg9[%add3A_53] masked %eq3A_209 : memref<40960xf32, #tpu.memory_space<vmem>>[vector<16xi32>], vector<16xf32>, vector<16xi1>
          %max3A_213 = arith.maximumf %gather3A_212, %gather3A_39 : vector<16xf32>
          tpu.vector_store_idx %arg9[%add3A_53], %max3A_213 masked %eq3A_209 : memref<40960xf32, #tpu.memory_space<vmem>>[vector<16xi32>], vector<16xf32>, vector<16xi1>
          %gather3A_214 = tpu.vector_load_idx %arg9[%add3A_56] masked %eq3A_209 : memref<40960xf32, #tpu.memory_space<vmem>>[vector<16xi32>], vector<16xf32>, vector<16xi1>
          %max3A_215 = arith.maximumf %gather3A_214, %gather3A_43 : vector<16xf32>
          tpu.vector_store_idx %arg9[%add3A_56], %max3A_215 masked %eq3A_209 : memref<40960xf32, #tpu.memory_space<vmem>>[vector<16xi32>], vector<16xf32>, vector<16xi1>
          %gather3A_216 = tpu.vector_load_idx %arg9[%add3A_59] masked %eq3A_209 : memref<40960xf32, #tpu.memory_space<vmem>>[vector<16xi32>], vector<16xf32>, vector<16xi1>
          %max3A_217 = arith.maximumf %gather3A_216, %gather3A_47 : vector<16xf32>
          tpu.vector_store_idx %arg9[%add3A_59], %max3A_217 masked %eq3A_209 : memref<40960xf32, #tpu.memory_space<vmem>>[vector<16xi32>], vector<16xf32>, vector<16xi1>
          %eq3A_218 = arith.constant 14 : i32
          %eq3A_219 = vector.broadcast %eq3A_218 : i32 to vector<16xi32>
          %eq3A_220 = arith.cmpi eq, %iota3A, %eq3A_219 : vector<16xi32>
          %gather3A_221 = tpu.vector_load_idx %arg9[%add3A_50] masked %eq3A_220 : memref<40960xf32, #tpu.memory_space<vmem>>[vector<16xi32>], vector<16xf32>, vector<16xi1>
          %max3A_222 = arith.maximumf %gather3A_221, %gather3A_35 : vector<16xf32>
          tpu.vector_store_idx %arg9[%add3A_50], %max3A_222 masked %eq3A_220 : memref<40960xf32, #tpu.memory_space<vmem>>[vector<16xi32>], vector<16xf32>, vector<16xi1>
          %gather3A_223 = tpu.vector_load_idx %arg9[%add3A_53] masked %eq3A_220 : memref<40960xf32, #tpu.memory_space<vmem>>[vector<16xi32>], vector<16xf32>, vector<16xi1>
          %max3A_224 = arith.maximumf %gather3A_223, %gather3A_39 : vector<16xf32>
          tpu.vector_store_idx %arg9[%add3A_53], %max3A_224 masked %eq3A_220 : memref<40960xf32, #tpu.memory_space<vmem>>[vector<16xi32>], vector<16xf32>, vector<16xi1>
          %gather3A_225 = tpu.vector_load_idx %arg9[%add3A_56] masked %eq3A_220 : memref<40960xf32, #tpu.memory_space<vmem>>[vector<16xi32>], vector<16xf32>, vector<16xi1>
          %max3A_226 = arith.maximumf %gather3A_225, %gather3A_43 : vector<16xf32>
          tpu.vector_store_idx %arg9[%add3A_56], %max3A_226 masked %eq3A_220 : memref<40960xf32, #tpu.memory_space<vmem>>[vector<16xi32>], vector<16xf32>, vector<16xi1>
          %gather3A_227 = tpu.vector_load_idx %arg9[%add3A_59] masked %eq3A_220 : memref<40960xf32, #tpu.memory_space<vmem>>[vector<16xi32>], vector<16xf32>, vector<16xi1>
          %max3A_228 = arith.maximumf %gather3A_227, %gather3A_47 : vector<16xf32>
          tpu.vector_store_idx %arg9[%add3A_59], %max3A_228 masked %eq3A_220 : memref<40960xf32, #tpu.memory_space<vmem>>[vector<16xi32>], vector<16xf32>, vector<16xi1>
          %eq3A_229 = arith.constant 15 : i32
          %eq3A_230 = vector.broadcast %eq3A_229 : i32 to vector<16xi32>
          %eq3A_231 = arith.cmpi eq, %iota3A, %eq3A_230 : vector<16xi32>
          %gather3A_232 = tpu.vector_load_idx %arg9[%add3A_50] masked %eq3A_231 : memref<40960xf32, #tpu.memory_space<vmem>>[vector<16xi32>], vector<16xf32>, vector<16xi1>
          %max3A_233 = arith.maximumf %gather3A_232, %gather3A_35 : vector<16xf32>
          tpu.vector_store_idx %arg9[%add3A_50], %max3A_233 masked %eq3A_231 : memref<40960xf32, #tpu.memory_space<vmem>>[vector<16xi32>], vector<16xf32>, vector<16xi1>
          %gather3A_234 = tpu.vector_load_idx %arg9[%add3A_53] masked %eq3A_231 : memref<40960xf32, #tpu.memory_space<vmem>>[vector<16xi32>], vector<16xf32>, vector<16xi1>
          %max3A_235 = arith.maximumf %gather3A_234, %gather3A_39 : vector<16xf32>
          tpu.vector_store_idx %arg9[%add3A_53], %max3A_235 masked %eq3A_231 : memref<40960xf32, #tpu.memory_space<vmem>>[vector<16xi32>], vector<16xf32>, vector<16xi1>
          %gather3A_236 = tpu.vector_load_idx %arg9[%add3A_56] masked %eq3A_231 : memref<40960xf32, #tpu.memory_space<vmem>>[vector<16xi32>], vector<16xf32>, vector<16xi1>
          %max3A_237 = arith.maximumf %gather3A_236, %gather3A_43 : vector<16xf32>
          tpu.vector_store_idx %arg9[%add3A_56], %max3A_237 masked %eq3A_231 : memref<40960xf32, #tpu.memory_space<vmem>>[vector<16xi32>], vector<16xf32>, vector<16xi1>
          %gather3A_238 = tpu.vector_load_idx %arg9[%add3A_59] masked %eq3A_231 : memref<40960xf32, #tpu.memory_space<vmem>>[vector<16xi32>], vector<16xf32>, vector<16xi1>
          %max3A_239 = arith.maximumf %gather3A_238, %gather3A_47 : vector<16xf32>
          tpu.vector_store_idx %arg9[%add3A_59], %max3A_239 masked %eq3A_231 : memref<40960xf32, #tpu.memory_space<vmem>>[vector<16xi32>], vector<16xf32>, vector<16xi1>
        } else {
        }
      }
      %scan3A_22 = arith.constant 125 : i32
    }
    %scan3A_13 = arith.constant 160 : i32
    "tpu.region"() ({
      %run_scoped3A = tpu.sem_alloc : memref<!tpu.dma_semaphore, #tpu.memory_space<semaphore_mem>>
      %dma_start3A = tpu.memref_slice %arg5[%multiple_of3A] : memref<1310720xf32, #tpu.memory_space<hbm>> -> memref<40960xf32, #tpu.memory_space<hbm>>
      %dma_start3A_14 = tpu.memref_slice %arg5[%multiple_of3A] : memref<1310720xf32, #tpu.memory_space<hbm>> -> memref<40960xf32, #tpu.memory_space<hbm>>
      tpu.enqueue_dma source(%arg9 : memref<40960xf32, #tpu.memory_space<vmem>>) target(%dma_start3A_14 : memref<40960xf32, #tpu.memory_space<hbm>>) target_semaphore(%run_scoped3A : memref<!tpu.dma_semaphore, #tpu.memory_space<semaphore_mem>>)
      %dma_wait3A = tpu.memref_slice %arg5[%multiple_of3A] : memref<1310720xf32, #tpu.memory_space<hbm>> -> memref<40960xf32, #tpu.memory_space<hbm>>
      %dma_wait3A_15 = tpu.memref_slice %arg5[%multiple_of3A] : memref<1310720xf32, #tpu.memory_space<hbm>> -> memref<40960xf32, #tpu.memory_space<hbm>>
      tpu.wait_dma2 semaphore(%run_scoped3A : memref<!tpu.dma_semaphore, #tpu.memory_space<semaphore_mem>>) src(%arg9 : memref<40960xf32, #tpu.memory_space<vmem>>) dst(%dma_wait3A_15 : memref<40960xf32, #tpu.memory_space<hbm>>)
      tpu.yield
    }) : () -> ()
    return
  }
}

module attributes {stable_mosaic.version = 14 : i64} {
  func.func @_dense1_body(%arg0: i32, %arg1: memref<1024x128xf32, #tpu.memory_space<vmem>>, %arg2: memref<128x128xf32, #tpu.memory_space<vmem>>, %arg3: memref<128x1xf32, #tpu.memory_space<vmem>>, %arg4: memref<128x128xf32, #tpu.memory_space<vmem>>, %arg5: memref<128x1024xf32, #tpu.memory_space<vmem>>, %arg6: memref<128x1024xf32, #tpu.memory_space<vmem>>) attributes {dimension_semantics = [#tpu.dimension_semantics<arbitrary>], iteration_bounds = array<i64: 10>, scalar_prefetch = 0 : i64, scratch_operands = 0 : i64, tpu.core_type = #tpu.core_type<tc>, window_params = [{transform_indices = @transform_0, window_bounds = array<i64: 1024, 128>}, {pipeline_mode = #tpu.pipeline_mode<synchronous>, transform_indices = @transform_1, window_bounds = array<i64: 128, 128>}, {pipeline_mode = #tpu.pipeline_mode<synchronous>, transform_indices = @transform_2, window_bounds = array<i64: 128, 1>}, {pipeline_mode = #tpu.pipeline_mode<synchronous>, transform_indices = @transform_3, window_bounds = array<i64: 128, 128>}, {transform_indices = @transform_4, window_bounds = array<i64: 128, 1024>}, {transform_indices = @transform_5, window_bounds = array<i64: 128, 1024>}]} {
    %get3A = arith.constant 0 : index
    %get3A_0 = arith.constant 0 : index
    %get3A_1 = vector.load %arg1[%get3A, %get3A_0] : memref<1024x128xf32, #tpu.memory_space<vmem>>, vector<1024x128xf32>
    %get3A_2 = arith.constant 0 : index
    %get3A_3 = arith.constant 0 : index
    %get3A_4 = vector.load %arg2[%get3A_2, %get3A_3] : memref<128x128xf32, #tpu.memory_space<vmem>>, vector<128x128xf32>
    %dot_general3A = arith.constant dense<0.000000e+00> : vector<128x1024xf32>
    %dot_general3A_5 = tpu.matmul %get3A_4, %get3A_1, %dot_general3A {dimension_numbers = #tpu.dot_dimension_numbers<[1], [1], [0], [0], [0, 0, 1, 0], [], []>, transpose_lhs_hint = false} : vector<128x128xf32>, vector<1024x128xf32>, vector<128x1024xf32> -> vector<128x1024xf32>
    %get3A_6 = arith.constant 0 : index
    %get3A_7 = arith.constant 0 : index
    %get3A_8 = vector.load %arg3[%get3A_6, %get3A_7] : memref<128x1xf32, #tpu.memory_space<vmem>>, vector<128x1xf32>
    %add3A = vector.broadcast %get3A_8 : vector<128x1xf32> to vector<128x1024xf32>
    %add3A_9 = arith.addf %dot_general3A_5, %add3A : vector<128x1024xf32>
    %max3A = arith.constant 0.000000e+00 : f32
    %max3A_10 = vector.broadcast %max3A : f32 to vector<128x1024xf32>
    %max3A_11 = arith.maximumf %add3A_9, %max3A_10 : vector<128x1024xf32>
    %swap3A = arith.constant 0 : index
    %swap3A_12 = arith.constant 0 : index
    %swap3A_13 = vector.load %arg5[%swap3A, %swap3A_12] : memref<128x1024xf32, #tpu.memory_space<vmem>>, vector<128x1024xf32>
    tpu.vector_store %arg5[%swap3A, %swap3A_12], %max3A_11 {strides = array<i32>} : memref<128x1024xf32, #tpu.memory_space<vmem>>, vector<128x1024xf32>,
    %get3A_14 = arith.constant 0 : index
    %get3A_15 = arith.constant 0 : index
    %get3A_16 = vector.load %arg4[%get3A_14, %get3A_15] : memref<128x128xf32, #tpu.memory_space<vmem>>, vector<128x128xf32>
    %dot_general3A_17 = arith.constant dense<0.000000e+00> : vector<128x1024xf32>
    %dot_general3A_18 = tpu.matmul %get3A_16, %get3A_1, %dot_general3A_17 {dimension_numbers = #tpu.dot_dimension_numbers<[1], [1], [0], [0], [0, 0, 1, 0], [], []>, transpose_lhs_hint = false} : vector<128x128xf32>, vector<1024x128xf32>, vector<128x1024xf32> -> vector<128x1024xf32>
    %swap3A_19 = arith.constant 0 : index
    %swap3A_20 = arith.constant 0 : index
    %swap3A_21 = vector.load %arg6[%swap3A_19, %swap3A_20] : memref<128x1024xf32, #tpu.memory_space<vmem>>, vector<128x1024xf32>
    tpu.vector_store %arg6[%swap3A_19, %swap3A_20], %dot_general3A_18 {strides = array<i32>} : memref<128x1024xf32, #tpu.memory_space<vmem>>, vector<128x1024xf32>,
    return
  }
  func.func @transform_0(%arg0: i32) -> (i32, i32) {
    %c0_i32 = arith.constant 0 : i32
    %c0_i32_0 = arith.constant 0 : i32
    return %arg0, %c0_i32 : i32, i32
  }
  func.func @transform_1(%arg0: i32) -> (i32, i32) {
    %c0_i32 = arith.constant 0 : i32
    %c0_i32_0 = arith.constant 0 : i32
    %c0_i32_1 = arith.constant 0 : i32
    return %c0_i32, %c0_i32_0 : i32, i32
  }
  func.func @transform_2(%arg0: i32) -> (i32, i32) {
    %c0_i32 = arith.constant 0 : i32
    %c0_i32_0 = arith.constant 0 : i32
    %c0_i32_1 = arith.constant 0 : i32
    return %c0_i32, %c0_i32_0 : i32, i32
  }
  func.func @transform_3(%arg0: i32) -> (i32, i32) {
    %c0_i32 = arith.constant 0 : i32
    %c0_i32_0 = arith.constant 0 : i32
    %c0_i32_1 = arith.constant 0 : i32
    return %c0_i32, %c0_i32_0 : i32, i32
  }
  func.func @transform_4(%arg0: i32) -> (i32, i32) {
    %c0_i32 = arith.constant 0 : i32
    %c0_i32_0 = arith.constant 0 : i32
    return %c0_i32, %arg0 : i32, i32
  }
  func.func @transform_5(%arg0: i32) -> (i32, i32) {
    %c0_i32 = arith.constant 0 : i32
    %c0_i32_0 = arith.constant 0 : i32
    return %c0_i32, %arg0 : i32, i32
  }
}

module attributes {stable_mosaic.version = 14 : i64} {
  func.func @_dense2_body(%arg0: i32, %arg1: memref<128x1024xf32, #tpu.memory_space<vmem>>, %arg2: memref<128x1024xf32, #tpu.memory_space<vmem>>, %arg3: memref<128x128xf32, #tpu.memory_space<vmem>>, %arg4: memref<128x1xf32, #tpu.memory_space<vmem>>, %arg5: memref<128x128xf32, #tpu.memory_space<vmem>>, %arg6: memref<128x1xf32, #tpu.memory_space<vmem>>, %arg7: memref<64x128xf32, #tpu.memory_space<vmem>>, %arg8: memref<128x1024xf32, #tpu.memory_space<vmem>>, %arg9: memref<64x1024xf32, #tpu.memory_space<vmem>>) attributes {dimension_semantics = [#tpu.dimension_semantics<arbitrary>], iteration_bounds = array<i64: 10>, scalar_prefetch = 0 : i64, scratch_operands = 0 : i64, tpu.core_type = #tpu.core_type<tc>, window_params = [{transform_indices = @transform_0, window_bounds = array<i64: 128, 1024>}, {transform_indices = @transform_1, window_bounds = array<i64: 128, 1024>}, {pipeline_mode = #tpu.pipeline_mode<synchronous>, transform_indices = @transform_2, window_bounds = array<i64: 128, 128>}, {pipeline_mode = #tpu.pipeline_mode<synchronous>, transform_indices = @transform_3, window_bounds = array<i64: 128, 1>}, {pipeline_mode = #tpu.pipeline_mode<synchronous>, transform_indices = @transform_4, window_bounds = array<i64: 128, 128>}, {pipeline_mode = #tpu.pipeline_mode<synchronous>, transform_indices = @transform_5, window_bounds = array<i64: 128, 1>}, {pipeline_mode = #tpu.pipeline_mode<synchronous>, transform_indices = @transform_6, window_bounds = array<i64: 64, 128>}, {transform_indices = @transform_7, window_bounds = array<i64: 128, 1024>}, {transform_indices = @transform_8, window_bounds = array<i64: 64, 1024>}]} {
    %get3A = arith.constant 0 : index
    %get3A_0 = arith.constant 0 : index
    %get3A_1 = vector.load %arg1[%get3A, %get3A_0] : memref<128x1024xf32, #tpu.memory_space<vmem>>, vector<128x1024xf32>
    %get3A_2 = arith.constant 0 : index
    %get3A_3 = arith.constant 0 : index
    %get3A_4 = vector.load %arg3[%get3A_2, %get3A_3] : memref<128x128xf32, #tpu.memory_space<vmem>>, vector<128x128xf32>
    %get3A_5 = arith.constant 0 : index
    %get3A_6 = arith.constant 0 : index
    %get3A_7 = vector.load %arg2[%get3A_5, %get3A_6] : memref<128x1024xf32, #tpu.memory_space<vmem>>, vector<128x1024xf32>
    %dot_general3A = arith.constant dense<0.000000e+00> : vector<128x1024xf32>
    %dot_general3A_8 = tpu.matmul %get3A_4, %get3A_7, %dot_general3A {dimension_numbers = #tpu.dot_dimension_numbers<[1], [0], [0], [1], [0, 0, 1, 1], [], []>, transpose_lhs_hint = false} : vector<128x128xf32>, vector<128x1024xf32>, vector<128x1024xf32> -> vector<128x1024xf32>
    %add3A = arith.addf %get3A_1, %dot_general3A_8 : vector<128x1024xf32>
    %get3A_9 = arith.constant 0 : index
    %get3A_10 = arith.constant 0 : index
    %get3A_11 = vector.load %arg4[%get3A_9, %get3A_10] : memref<128x1xf32, #tpu.memory_space<vmem>>, vector<128x1xf32>
    %add3A_12 = vector.broadcast %get3A_11 : vector<128x1xf32> to vector<128x1024xf32>
    %add3A_13 = arith.addf %add3A, %add3A_12 : vector<128x1024xf32>
    %max3A = arith.constant 0.000000e+00 : f32
    %max3A_14 = vector.broadcast %max3A : f32 to vector<128x1024xf32>
    %max3A_15 = arith.maximumf %add3A_13, %max3A_14 : vector<128x1024xf32>
    %get3A_16 = arith.constant 0 : index
    %get3A_17 = arith.constant 0 : index
    %get3A_18 = vector.load %arg5[%get3A_16, %get3A_17] : memref<128x128xf32, #tpu.memory_space<vmem>>, vector<128x128xf32>
    %dot_general3A_19 = arith.constant dense<0.000000e+00> : vector<128x1024xf32>
    %dot_general3A_20 = tpu.matmul %get3A_18, %max3A_15, %dot_general3A_19 {dimension_numbers = #tpu.dot_dimension_numbers<[1], [0], [0], [1], [0, 0, 1, 1], [], []>, transpose_lhs_hint = false} : vector<128x128xf32>, vector<128x1024xf32>, vector<128x1024xf32> -> vector<128x1024xf32>
    %get3A_21 = arith.constant 0 : index
    %get3A_22 = arith.constant 0 : index
    %get3A_23 = vector.load %arg6[%get3A_21, %get3A_22] : memref<128x1xf32, #tpu.memory_space<vmem>>, vector<128x1xf32>
    %add3A_24 = vector.broadcast %get3A_23 : vector<128x1xf32> to vector<128x1024xf32>
    %add3A_25 = arith.addf %dot_general3A_20, %add3A_24 : vector<128x1024xf32>
    %max3A_26 = arith.constant 0.000000e+00 : f32
    %max3A_27 = vector.broadcast %max3A_26 : f32 to vector<128x1024xf32>
    %max3A_28 = arith.maximumf %add3A_25, %max3A_27 : vector<128x1024xf32>
    %swap3A = arith.constant 0 : index
    %swap3A_29 = arith.constant 0 : index
    %swap3A_30 = vector.load %arg8[%swap3A, %swap3A_29] : memref<128x1024xf32, #tpu.memory_space<vmem>>, vector<128x1024xf32>
    tpu.vector_store %arg8[%swap3A, %swap3A_29], %max3A_28 {strides = array<i32>} : memref<128x1024xf32, #tpu.memory_space<vmem>>, vector<128x1024xf32>,
    %get3A_31 = arith.constant 0 : index
    %get3A_32 = arith.constant 0 : index
    %get3A_33 = vector.load %arg7[%get3A_31, %get3A_32] : memref<64x128xf32, #tpu.memory_space<vmem>>, vector<64x128xf32>
    %dot_general3A_34 = arith.constant dense<0.000000e+00> : vector<64x1024xf32>
    %dot_general3A_35 = tpu.matmul %get3A_33, %max3A_15, %dot_general3A_34 {dimension_numbers = #tpu.dot_dimension_numbers<[1], [0], [0], [1], [0, 0, 1, 1], [], []>, transpose_lhs_hint = false} : vector<64x128xf32>, vector<128x1024xf32>, vector<64x1024xf32> -> vector<64x1024xf32>
    %swap3A_36 = arith.constant 0 : index
    %swap3A_37 = arith.constant 0 : index
    %swap3A_38 = vector.load %arg9[%swap3A_36, %swap3A_37] : memref<64x1024xf32, #tpu.memory_space<vmem>>, vector<64x1024xf32>
    tpu.vector_store %arg9[%swap3A_36, %swap3A_37], %dot_general3A_35 {strides = array<i32>} : memref<64x1024xf32, #tpu.memory_space<vmem>>, vector<64x1024xf32>,
    return
  }
  func.func @transform_0(%arg0: i32) -> (i32, i32) {
    %c0_i32 = arith.constant 0 : i32
    %c0_i32_0 = arith.constant 0 : i32
    return %c0_i32, %arg0 : i32, i32
  }
  func.func @transform_1(%arg0: i32) -> (i32, i32) {
    %c0_i32 = arith.constant 0 : i32
    %c0_i32_0 = arith.constant 0 : i32
    return %c0_i32, %arg0 : i32, i32
  }
  func.func @transform_2(%arg0: i32) -> (i32, i32) {
    %c0_i32 = arith.constant 0 : i32
    %c0_i32_0 = arith.constant 0 : i32
    %c0_i32_1 = arith.constant 0 : i32
    return %c0_i32, %c0_i32_0 : i32, i32
  }
  func.func @transform_3(%arg0: i32) -> (i32, i32) {
    %c0_i32 = arith.constant 0 : i32
    %c0_i32_0 = arith.constant 0 : i32
    %c0_i32_1 = arith.constant 0 : i32
    return %c0_i32, %c0_i32_0 : i32, i32
  }
  func.func @transform_4(%arg0: i32) -> (i32, i32) {
    %c0_i32 = arith.constant 0 : i32
    %c0_i32_0 = arith.constant 0 : i32
    %c0_i32_1 = arith.constant 0 : i32
    return %c0_i32, %c0_i32_0 : i32, i32
  }
  func.func @transform_5(%arg0: i32) -> (i32, i32) {
    %c0_i32 = arith.constant 0 : i32
    %c0_i32_0 = arith.constant 0 : i32
    %c0_i32_1 = arith.constant 0 : i32
    return %c0_i32, %c0_i32_0 : i32, i32
  }
  func.func @transform_6(%arg0: i32) -> (i32, i32) {
    %c0_i32 = arith.constant 0 : i32
    %c0_i32_0 = arith.constant 0 : i32
    %c0_i32_1 = arith.constant 0 : i32
    return %c0_i32, %c0_i32_0 : i32, i32
  }
  func.func @transform_7(%arg0: i32) -> (i32, i32) {
    %c0_i32 = arith.constant 0 : i32
    %c0_i32_0 = arith.constant 0 : i32
    return %c0_i32, %arg0 : i32, i32
  }
  func.func @transform_8(%arg0: i32) -> (i32, i32) {
    %c0_i32 = arith.constant 0 : i32
    %c0_i32_0 = arith.constant 0 : i32
    return %c0_i32, %arg0 : i32, i32
  }
}

module attributes {stable_mosaic.version = 14 : i64} {
  func.func @_dense3_body(%arg0: i32, %arg1: memref<64x1024xf32, #tpu.memory_space<vmem>>, %arg2: memref<128x1024xf32, #tpu.memory_space<vmem>>, %arg3: memref<64x128xf32, #tpu.memory_space<vmem>>, %arg4: memref<64x1xf32, #tpu.memory_space<vmem>>, %arg5: memref<1024x64xf32, #tpu.memory_space<vmem>>) attributes {dimension_semantics = [#tpu.dimension_semantics<arbitrary>], iteration_bounds = array<i64: 10>, scalar_prefetch = 0 : i64, scratch_operands = 0 : i64, tpu.core_type = #tpu.core_type<tc>, window_params = [{transform_indices = @transform_0, window_bounds = array<i64: 64, 1024>}, {transform_indices = @transform_1, window_bounds = array<i64: 128, 1024>}, {pipeline_mode = #tpu.pipeline_mode<synchronous>, transform_indices = @transform_2, window_bounds = array<i64: 64, 128>}, {pipeline_mode = #tpu.pipeline_mode<synchronous>, transform_indices = @transform_3, window_bounds = array<i64: 64, 1>}, {transform_indices = @transform_4, window_bounds = array<i64: 1024, 64>}]} {
    %get3A = arith.constant 0 : index
    %get3A_0 = arith.constant 0 : index
    %get3A_1 = vector.load %arg1[%get3A, %get3A_0] : memref<64x1024xf32, #tpu.memory_space<vmem>>, vector<64x1024xf32>
    %get3A_2 = arith.constant 0 : index
    %get3A_3 = arith.constant 0 : index
    %get3A_4 = vector.load %arg3[%get3A_2, %get3A_3] : memref<64x128xf32, #tpu.memory_space<vmem>>, vector<64x128xf32>
    %get3A_5 = arith.constant 0 : index
    %get3A_6 = arith.constant 0 : index
    %get3A_7 = vector.load %arg2[%get3A_5, %get3A_6] : memref<128x1024xf32, #tpu.memory_space<vmem>>, vector<128x1024xf32>
    %dot_general3A = arith.constant dense<0.000000e+00> : vector<64x1024xf32>
    %dot_general3A_8 = tpu.matmul %get3A_4, %get3A_7, %dot_general3A {dimension_numbers = #tpu.dot_dimension_numbers<[1], [0], [0], [1], [0, 0, 1, 1], [], []>, transpose_lhs_hint = false} : vector<64x128xf32>, vector<128x1024xf32>, vector<64x1024xf32> -> vector<64x1024xf32>
    %add3A = arith.addf %get3A_1, %dot_general3A_8 : vector<64x1024xf32>
    %get3A_9 = arith.constant 0 : index
    %get3A_10 = arith.constant 0 : index
    %get3A_11 = vector.load %arg4[%get3A_9, %get3A_10] : memref<64x1xf32, #tpu.memory_space<vmem>>, vector<64x1xf32>
    %add3A_12 = vector.broadcast %get3A_11 : vector<64x1xf32> to vector<64x1024xf32>
    %add3A_13 = arith.addf %add3A, %add3A_12 : vector<64x1024xf32>
    %transpose3A = tpu.transpose %add3A_13, [1, 0] : vector<64x1024xf32> -> vector<1024x64xf32>
    %swap3A = arith.constant 0 : index
    %swap3A_14 = arith.constant 0 : index
    %swap3A_15 = vector.load %arg5[%swap3A, %swap3A_14] : memref<1024x64xf32, #tpu.memory_space<vmem>>, vector<1024x64xf32>
    tpu.vector_store %arg5[%swap3A, %swap3A_14], %transpose3A {strides = array<i32>} : memref<1024x64xf32, #tpu.memory_space<vmem>>, vector<1024x64xf32>,
    return
  }
  func.func @transform_0(%arg0: i32) -> (i32, i32) {
    %c0_i32 = arith.constant 0 : i32
    %c0_i32_0 = arith.constant 0 : i32
    return %c0_i32, %arg0 : i32, i32
  }
  func.func @transform_1(%arg0: i32) -> (i32, i32) {
    %c0_i32 = arith.constant 0 : i32
    %c0_i32_0 = arith.constant 0 : i32
    return %c0_i32, %arg0 : i32, i32
  }
  func.func @transform_2(%arg0: i32) -> (i32, i32) {
    %c0_i32 = arith.constant 0 : i32
    %c0_i32_0 = arith.constant 0 : i32
    %c0_i32_1 = arith.constant 0 : i32
    return %c0_i32, %c0_i32_0 : i32, i32
  }
  func.func @transform_3(%arg0: i32) -> (i32, i32) {
    %c0_i32 = arith.constant 0 : i32
    %c0_i32_0 = arith.constant 0 : i32
    %c0_i32_1 = arith.constant 0 : i32
    return %c0_i32, %c0_i32_0 : i32, i32
  }
  func.func @transform_4(%arg0: i32) -> (i32, i32) {
    %c0_i32 = arith.constant 0 : i32
    %c0_i32_0 = arith.constant 0 : i32
    return %arg0, %c0_i32 : i32, i32
  }
}

</mosaic_0001>

<sc_bundles>
// kernel: kernel.10.cloned.1.call-start
scs
__scs_entry_jumppad:
0x0: {  	(pc) =	sbr.rel $0x88, $3  }
0x1: {  	(tag) =	ssettag $0x0;
	lr =	simm.s32 $0x1  }
0x2: {  	[smem:$0x3F95] =	sst lr;
	_ =	strace $0xD0000000  }
0x3: {  	_ = 	snop  }
0x4: {  	_ = 	snop  }
0x5: {  	_ = 	snop  }
0x6: {  	_ = 	snop  }
0x7: {  	_ = 	snop  }
__scs_overlays_trampoline_lowered:
0x8: {  	[smem:$0x3FA4] =	sst s0  }
0x9: {  	[smem:$0x3FA5] =	sst s1  }
0xa: {  	[smem:$0x3FA6] =	sst s2  }
0xb: {  	[smem:$0x3FA7] =	sst s3  }
0xc: {  	[smem:$0x3FA8] =	sst s4  }
0xd: {  	[smem:$0x3FA9] =	sst s5  }
0xe: {  	[smem:$0x3FAA] =	sst s6  }
0xf: {  	[smem:$0x3FAB] =	sst s7  }
0x10: {  	[smem:$0x3FAC] =	sst s8  }
0x11: {  	[smem:$0x3FAD] =	sst s9;
	s0 =	simm.s32 @!p0 $0x0  }
0x12: {  	s1 =	sld [smem:$0x3F93];
	s0 =	simm.s32 @p0 $0x1  }
0x13: {  	[smem:$0x3FAE] =	sst s0;
	s0 =	simm.s32 @!p1 $0x0  }
0x14: {  	s2 =	sld [smem:$0x3F92];
	s0 =	simm.s32 @p1 $0x1  }
0x15: {  	[smem:$0x3FAF] =	sst s0;
	s0 =	simm.s32 @!p2 $0x0  }
0x16: {  	s3 =	sld [smem:$0x3FDB];
	s0 =	simm.s32 @p2 $0x1  }
0x17: {  	s4 =	simm.s32 $0x1BF5;
	[smem:$0x3FB1] =	sst s0  }
0x18: {  	s0 =	sld [smem:$0x3F94];
	_ =	swait.ge [sflag:s4], $0x0  }
0x19: {  	s7 =	sld [smem:$0x3F95]  }
0x1a: {  	s8 =	sadd.s32 $0xFFFFE003, lr  }
0x1b: {  	s9 =	sadd.s32 $0xFFFFFEF7, lr;
	s5 =	simm.s32 $0xFFFFFFFF;
	p2 =	slt.u32 s8, $0xFFFFF086  }
0x1c: {  	p1 =	slt.u32 s9, $0xF7A;
	s5 =	simm.s32 @!p2 $0x0  }
0x1d: {  	s5 =	simm.s32 @p1 $0x1;
	p0 =	seq.s32 s7, s2  }
0x1e: {  	s7 =	smul.u32 @!p0 $0xF7A, s2;
	p2 =	seq.s32 @!p0 s5, $0x0  }
0x1f: {  	s9 =	smul.u32 $0xF7A, s1;
	s8 =	simm.s32 @!p0 $0x1BF5;
	p2 =	por !p2, p0  }
0x20: {  	[sflag:s8] =	ssyncset.s32 @!p0 $0xFFFFF086;
	s6 =	sadd.s32 @!p0 s3, s7;
	s7 =	simm.s32 @!p0 $0x108  }
0x21: {  	s3 =	sadd.s32 s3, s9;
	s6 =	sadd.s32 @!p0 $0x88, s6;
	s7 =	simm.s32 @p2 $0x1082  }
0x22: {  	[simem:s7], [sflag:s8] =	dma.local @!p0 [hbm:s6], $0xF7A  }
0x23: {  	s9 =	sor.u32 $0xD0000000, s2;
	s6 =	simm.s32 $0x108;
	_ =	swait.ge @!p0 [sflag:s8], $0x0  }
0x24: {  	s3 =	sadd.s32 $0x88, s3;
	s6 =	simm.s32 @!p1 $0x1082;
	[sflag:s4] =	ssyncset.s32 $0xFFFFF086  }
0x25: {  	[simem:s6], [sflag:s4] =	dma.local [hbm:s3], $0xF7A  }
0x26: {  	[smem:$0x3F95] =	sst s1;
	(tag) =	ssettag s2;
	_ =	strace s9  }
0x27: {  	s1 =	sld [smem:$0x3FA5]  }
0x28: {  	s2 =	sld [smem:$0x3FA6]  }
0x29: {  	s4 =	sld [smem:$0x3FA8]  }
0x2a: {  	p0 =	seq.s32 s5, $0x0;
	s5 =	sld [smem:$0x3FA9]  }
0x2b: {  	s6 =	sld [smem:$0x3FAA]  }
0x2c: {  	s7 =	sld [smem:$0x3FAB]  }
0x2d: {  	s3 =	simm.s32 $0x108;
	s8 =	sld [smem:$0x3FAC]  }
0x2e: {  	s3 =	simm.s32 @!p0 $0x1082;
	s9 =	sld [smem:$0x3FAD]  }
0x2f: {  	lr =	sadd.s32 s0, s3;
	s0 =	sld [smem:$0x3FA4]  }
0x30: {  	s3 =	sld [smem:$0x3FA7]  }
0x31: {  	[smem:$0x3FB0] =	sst s10  }
0x32: {  	s10 =	sld [smem:$0x3FAE];
	_ =	sdelay $0x3  }
0x33: {  	p0 =	seq.s32 s10, $0x1;
	s10 =	sld [smem:$0x3FB0];
	_ =	sdelay $0x3  }
0x34: {  	[smem:$0x3FB0] =	sst s10  }
0x35: {  	s10 =	sld [smem:$0x3FAF];
	_ =	sdelay $0x3  }
0x36: {  	p1 =	seq.s32 s10, $0x1;
	s10 =	sld [smem:$0x3FB0];
	_ =	sdelay $0x3  }
0x37: {  	[smem:$0x3FB0] =	sst s10  }
0x38: {  	s10 =	sld [smem:$0x3FB1]  }
0x39: {  	_ = 	snop;
	(pc) =	sbr.ind lr, $3  }
0x3a: {  	_ = 	snop  }
0x3b: {  	_ = 	snop  }
0x3c: {  	p2 =	seq.s32 s10, $0x1;
	s10 =	sld [smem:$0x3FB0]  }
0x3d: {  	_ =	shalt  }
0x3e: {  	_ =	shalt  }
0x3f: {  	_ =	shalt  }
0x40: {  	_ =	shalt  }
0x41: {  	_ =	shalt  }
0x42: {  	_ =	shalt  }
0x43: {  	_ =	shalt  }
0x44: {  	_ =	shalt  }
0x45: {  	_ =	shalt  }
0x46: {  	_ =	shalt  }
0x47: {  	_ =	shalt  }
0x48: {  	_ =	shalt  }
0x49: {  	_ =	shalt  }
0x4a: {  	_ =	shalt  }
0x4b: {  	_ =	shalt  }
0x4c: {  	_ =	shalt  }
0x4d: {  	_ =	shalt  }
0x4e: {  	_ =	shalt  }
0x4f: {  	_ =	shalt  }
0x50: {  	_ =	shalt  }
0x51: {  	_ =	shalt  }
0x52: {  	_ =	shalt  }
0x53: {  	_ =	shalt  }
0x54: {  	_ =	shalt  }
0x55: {  	_ =	shalt  }
0x56: {  	_ =	shalt  }
0x57: {  	_ =	shalt  }
0x58: {  	_ =	shalt  }
0x59: {  	_ =	shalt  }
0x5a: {  	_ =	shalt  }
0x5b: {  	_ =	shalt  }
0x5c: {  	_ =	shalt  }
0x5d: {  	_ =	shalt  }
0x5e: {  	_ =	shalt  }
0x5f: {  	_ =	shalt  }
0x60: {  	_ =	shalt  }
0x61: {  	_ =	shalt  }
0x62: {  	_ =	shalt  }
0x63: {  	_ =	shalt  }
0x64: {  	_ =	shalt  }
0x65: {  	_ =	shalt  }
0x66: {  	_ =	shalt  }
0x67: {  	_ =	shalt  }
0x68: {  	_ =	shalt  }
0x69: {  	_ =	shalt  }
0x6a: {  	_ =	shalt  }
0x6b: {  	_ =	shalt  }
0x6c: {  	_ =	shalt  }
0x6d: {  	_ =	shalt  }
0x6e: {  	_ =	shalt  }
0x6f: {  	_ =	shalt  }
0x70: {  	_ =	shalt  }
0x71: {  	_ =	shalt  }
0x72: {  	_ =	shalt  }
0x73: {  	_ =	shalt  }
0x74: {  	_ =	shalt  }
0x75: {  	_ =	shalt  }
0x76: {  	_ =	shalt  }
0x77: {  	_ =	shalt  }
0x78: {  	_ =	shalt  }
0x79: {  	_ =	shalt  }
0x7a: {  	_ =	shalt  }
0x7b: {  	_ =	shalt  }
0x7c: {  	_ =	shalt  }
0x7d: {  	_ =	shalt  }
0x7e: {  	_ =	shalt  }
0x7f: {  	_ =	shalt  }
0x80: {  	_ =	shalt  }
0x81: {  	_ =	shalt  }
0x82: {  	_ =	shalt  }
0x83: {  	_ =	shalt  }
0x84: {  	_ =	shalt  }
0x85: {  	_ =	shalt  }
0x86: {  	_ =	shalt  }
0x87: {  	_ =	shalt  }
.Lfunc_end0:
.L_simem_size_0:
called_computation.1_lowered:
.L_overlay_start_0:
0x88: {  	s2 =	sld [smem:$0x3FD9]  }
0x89: {  	s3 =	sld [smem:$0x3FFE];
	_ =	sdelay $0x1  }
0x8a: {  	s1 =	srdreg.scid  }
0x8b: {  	s0 =	sand.u32 $0x1, s1  }
0x8c: {  	s17 =	sshll.u32 s0, $0xA;
	s2 =	sadd.s32 s3, s2  }
0x8d: {  	s2 =	sadd.s32 s2, s17  }
0x8e: {  	[smem:$0x3FBC] =	sst s2  }
0x8f: {  	_ = 	snop  }
0x90: {  	s2 =	sld [smem:$0x3FD0];
	(tm) =	ssettm $0x1  }
0x91: {  	s18 =	sld [smem:$0x3FFB];
	_ =	sdelay $0x3  }
0x92: {  	_ =	strace s18  }
0x93: {  	s3 =	sld [smem:$0x3FFC];
	_ =	sdelay $0x3  }
0x94: {  	_ =	strace s3  }
0x95: {  	s3 =	sld [smem:$0x3FFD];
	_ =	sdelay $0x3  }
0x96: {  	_ =	strace s3  }
0x97: {  	_ =	strace $0x8FFFFFFF  }
0x98: {  	s19 =	sld [smem:$0x3FDB];
	_ =	sdelay $0x1  }
0x99: {  	s4 =	simm.s32 $_scs_section_size  }
0x9a: {  	s5 =	simm.s32 $_size__tile_overlayer_lowered;
	s6 =	simm.s32 $_tile_overlayer_lowered  }
0x9b: {  	s22 =	simm.s32 $0x1BFF;
	s21 =	sshll.u32 s6, $0x1;
	s3 =	sadd.s32 s4, s19  }
0x9c: {  	s7 =	simm.s32 $0x0;
	s20 =	sshll.u32 s5, $0x1;
	s5 =	sadd.s32 s21, s3  }
0x9d: {  	[timem:s7], [sflag:s22] =	dma.local [hbm:s5], s20  }
0x9e: {  	_ =	swait.ge [sflag:s22], s20  }
0x9f: {  	s4 =	ssub.s32 $0x0, s20;
	[sflag:s22] =	ssyncset.done $0x0  }
0xa0: {  	[sflag:s22] =	ssyncadd.s32 s4;
	_ =	sdelay $0x1  }
0xa1: {  	s23 =	simm.s32 $0x1B8B  }
0xa2: {  	_ =	swait.ge [sflag:s23], $0x1  }
0xa3: {  	[sflag:s23] =	ssyncset.done $0x0  }
0xa4: {  	s25 =	simm.s32 $0x1B8E;
	s24 =	sld [smem:$0x3FFE];
	[sflag:s23] =	ssyncadd.s32 $0xFFFFFFFF  }
0xa5: {  	s26 =	simm.s32 $execute0_lowered;
	[smem:$0x3FD2] =	sst s25  }
0xa6: {  	s5 =	sshll.u32 s26, $0x1;
	_ =	strace $0x80000049;
	[dreg:$0x1] =	wrdreg $0xFFFFFFFF  }
0xa7: {  	s28 =	simm.s32 $_size_execute0_lowered;
	s3 =	sadd.s32 s3, s5;
	[dreg:$0x0] =	wrdreg $0x0  }
0xa8: {  	s5 =	sshll.u32 s28, $0x1;
	[dreg:$0x2] =	wrdreg s3  }
0xa9: {  	[dreg:$0x3] =	wrdreg s5  }
0xaa: {  	[dreg:$0x4] =	wrdreg $0xC0  }
0xab: {  	_ =	task [dreg:s7], $0x5FFFF  }
0xac: {  	[dreg:$0x1] =	wrdreg $0xFFFFFFFF  }
0xad: {  	[dreg:$0x0] =	wrdreg $0x60  }
0xae: {  	[dreg:$0x2] =	wrdreg s24  }
0xaf: {  	[dreg:$0x3] =	wrdreg s2  }
0xb0: {  	[dreg:$0x4] =	wrdreg $0x9  }
0xb1: {  	_ =	task.clear_ibuf [dreg:s7], $0x5FFFF;
	_ =	strace $0x90000049  }
0xb2: {  	s29 =	simm.s32 $0x9;
	_ =	strace $0x8000004B  }
0xb3: {  	_ =	swait.ge [sflag:s29], $0x1  }
0xb4: {  	[sflag:s29] =	ssyncadd.s32 $0xFFFFFFFF  }
0xb5: {  	_ =	strace $0x9000004B  }
0xb6: {  	_ =	sfence  }
0xb7: {  	s30 =	sld [smem:$0x0];
	_ =	sdelay $0x2  }
0xb8: {  	s31 =	sshll.u32 s1, $0xD;
	s1 =	sshrl.u32 s1, $0x2  }
0xb9: {  	s3 =	sand.u32 $0x4000, s31;
	s1 =	sadd.s32 s1, s30  }
0xba: {  	s0 =	sor.u32 s3, s0;
	s1 =	sshll.u32 s1, $0x11  }
0xbb: {  	s0 =	sor.u32 s1, s0  }
0xbc: {  	s0 =	sadd.s32 $0x8F2B, s0  }
0xbd: {  	[sflag:s0] =	ssyncadd.remote.s32 $0x1  }
0xbe: {  	_ =	sfence.sel $0xFFFF  }
0xbf: {  	[dreg:$0x0] =	wrdreg $0xFFFFFFFF;
	(pc) =	sbr.abs _section_cstart, $3  }
0xc0: {  	[dreg:$0x1] =	wrdreg $0xFFFFFFFF  }
0xc1: {  	_ =	task.clear_ibuf [dreg:s7], $0x2FFFF;
	_ =	strace $0x9FFFFFFF  }
0xc2: {  	(tm) =	ssettm $0x7FFFFFFF  }
0xc3: {  	_ =	shalt  }
tec
execute0_lowered:
.L_overlay_start_1:
0x0: {  	(tag) =	ssettag $0x1  }
0x1: {  	s5 =	rddreg [dreg:$0x0]  }
0x2: {  	s1 =	srdreg.scid;
	s0 =	stileid.u32  }
0x3: {  	s2 =	rddreg [dreg:$0x1];
	s3 =	simm.s32 $0x0;
	s9 =	simm.s32 $0x1  }
0x4: {  	s10 =	simm.s32 $0x800;
	s11 =	simm.s32 $0x15000;
	s12 =	simm.s32 $0xB000  }
0x5: {  	v0 =	vimm.f32 $0.0e+00;
	v1 =	vlaneseq.u32;
	s13 =	simm.s32 $0x0;
	s4 =	sand.u32 $0x1, s1;
	s6 =	sshll.u32 s0, $0x1  }
.Ltmp0:
0x6: {  	vm0 =	vcmask $0x704;
	vm1 =	vcmask $0xB08;
	vm2 =	vcmask $0xF0C;
	s1 =	rddreg [dreg:$0x2];
	s6 =	sor.u32 s4, s6;
	(pc) =	sbr.rel .LBB2_1-.Ltmp0, $4  }
0x7: {  	vm3 =	vcmask $0x1310;
	vm4 =	vcmask $0x1714;
	vm5 =	vcmask $0x1B18;
	[smem:$0x7FF] =	sst s3;
	s7 =	ssub.s32 $0x2, s4;
	s6 =	smul.u32 $0x1400, s6  }
0x8: {  	vm6 =	vcmask $0x1F1C;
	vm7 =	vcmask $0x2320;
	vm8 =	vcmask $0x2724;
	_ =	strace $0x8000004A;
	s4 =	sadd.s32 $0x1A00, s5;
	s8 =	sshrl.u32 s7, $0x1  }
0x9: {  	vm9 =	vcmask $0x2B28;
	vm10 =	vcmask $0x2F2C;
	vm11 =	vcmask $0x3330;
	s7 =	ssub.s32 s7, s8;
	s8 =	simm.s32 $0x1000;
	s6 =	sadd.s32 s6, s5  }
0xa: {  	vm12 =	vcmask $0x3734;
	vm13 =	vcmask $0x3B38;
	vm14 =	vcmask $0x3F3C;
	s7 =	smax.u32 s7, $0x1;
	s5 =	sadd.s32 $0xB800, s6;
	s6 =	sadd.s32 $0x33800, s6  }
.LBB2_10:
0xb: {  	s13 =	sadd.s32 $0x1, s13  }
0xc: {  	p0 =	sne.s32 s13, s7  }
.Ltmp1:
0xd: {  	_ = 	snop;
	(pc) =	sbr.rel @!p0 .LBB2_11-.Ltmp1, $4  }
0xe: {  	[hbm4b:s6+s3] =	stream.linear.scatter [tilespmem:s12], [sflag:$0x1], $0xA000, $0x38;
	[tilespmem:$0x17800] =	vst v63  }
0xf: {  	_ =	swait.ge [sflag:s9], $0xA000  }
0x10: {  	[sflag:s9] =	ssyncset.done $0x0  }
0x11: {  	[sflag:s9] =	ssyncadd.s32 $0xFFFF6000  }
.LBB2_1:
0x12: {  	[tilespmem:s8], [sflag:$0x1] =	stream.linear.gather [hbm4b:s5+s3], $0xA000, $0x38;
	[tilespmem:$0x17800] =	vst v63  }
0x13: {  	_ =	swait.ge [sflag:s9], $0xA000  }
0x14: {  	[sflag:s9] =	ssyncset.done $0x0  }
0x15: {  	s14 =	simm.s32 $0x40;
	s15 =	simm.s32 $0x0;
	[sflag:s9] =	ssyncadd.s32 $0xFFFF6000  }
.LBB2_2:
0x16: {  	p0 =	sne.s32 s14, $0x27FC0;
	[tilespmem:s15+$0xB000] =	vst v0;
	s15 =	smov.u32 s14;
	s14 =	sadd.s32 $0x40, s14  }
.Ltmp2:
0x17: {  	(pc) =	sbr.rel @p0 .LBB2_2-.Ltmp2, $2  }
0x18: {  	_ =	sdelay $0x2  }
0x19: {  	s15 =	sshra.s32 s15, $0x2  }
.Ltmp3:
0x1a: {  	(pc) =	sbr.rel .LBB2_4-.Ltmp3, $2  }
0x1b: {  	_ =	sdelay $0x2  }
0x1c: {  	[tilespmem:s15+$0xB000] =	vst v0;
	s14 =	simm.s32 $0x0;
	s15 =	simm.s32 $0x0  }
.LBB2_9:
0x1d: {  	s15 =	sadd.s32 $0x1, s15  }
0x1e: {  	p0 =	sne.s32 s15, $0xA0  }
.Ltmp4:
0x1f: {  	_ = 	snop;
	(pc) =	sbr.rel @!p0 .LBB2_10-.Ltmp4, $1  }
0x20: {  	_ =	sdelay $0x3  }
.LBB2_4:
0x21: {  	s16 =	smul.u32 $0xFA, s15;
	_ =	sdelay $0x1  }
0x22: {  	s17 =	sadd.s32 s4, s16  }
0x23: {  	[tilespmem:s14], [sflag:$0x1] =	stream.linear.gather [hbm4b:s17+s14], $0x7D0, $0x38;
	[tilespmem:$0x17800] =	vst v63  }
0x24: {  	_ =	swait.ge [sflag:s9], $0x7D0  }
0x25: {  	[sflag:s9] =	ssyncset.done $0x0  }
.Ltmp5:
0x26: {  	s16 =	sadd.s32 s2, s16;
	[sflag:s9] =	ssyncadd.s32 $0xFFFFF830;
	(pc) =	sbr.rel .LBB2_5-.Ltmp5, $4  }
0x27: {  	[tilespmem:s10], [sflag:$0x1] =	stream.linear.gather [hbm4b:s16+s14], $0x7D0, $0x38;
	[tilespmem:$0x17800] =	vst v63  }
0x28: {  	_ =	swait.ge [sflag:s9], $0x7D0  }
0x29: {  	[sflag:s9] =	ssyncset.done $0x0  }
0x2a: {  	s16 =	simm.s32 $0x0;
	[sflag:s9] =	ssyncadd.s32 $0xFFFFF830  }
.LBB2_7:
0x2b: {  	_ =	sdelay $0x3  }
0x2c: {  	v10 =	vld.idx.msk [tilespmem:v3+s12+$0x0], $0x1;
	_ =	sdelay $0x4  }
0x2d: {  	v10 =	vmax.f32 v10, v9  }
0x2e: {  	[tilespmem:v3+s12+$0x0] =	vst.idx.msk $0x1, v10  }
0x2f: {  	v10 =	vld.idx.msk [tilespmem:v8+s12+$0x0], $0x1;
	_ =	sdelay $0x4  }
0x30: {  	v10 =	vmax.f32 v10, v7  }
0x31: {  	[tilespmem:v8+s12+$0x0] =	vst.idx.msk $0x1, v10  }
0x32: {  	v10 =	vld.idx.msk [tilespmem:v6+s12+$0x0], $0x1;
	_ =	sdelay $0x4  }
0x33: {  	v10 =	vmax.f32 v10, v5  }
0x34: {  	[tilespmem:v6+s12+$0x0] =	vst.idx.msk $0x1, v10  }
0x35: {  	v10 =	vld.idx.msk [tilespmem:v4+s12+$0x0], $0x1;
	_ =	sdelay $0x4  }
0x36: {  	v10 =	vmax.f32 v10, v2  }
0x37: {  	[tilespmem:v4+s12+$0x0] =	vst.idx.msk $0x1, v10  }
0x38: {  	v10 =	vld.idx.msk [tilespmem:v3+s12+$0x0], vm0;
	_ =	sdelay $0x4  }
0x39: {  	v10 =	vmax.f32 v10, v9  }
0x3a: {  	[tilespmem:v3+s12+$0x0] =	vst.idx.msk vm0, v10  }
0x3b: {  	v10 =	vld.idx.msk [tilespmem:v8+s12+$0x0], vm0;
	_ =	sdelay $0x4  }
0x3c: {  	v10 =	vmax.f32 v10, v7  }
0x3d: {  	[tilespmem:v8+s12+$0x0] =	vst.idx.msk vm0, v10  }
0x3e: {  	v10 =	vld.idx.msk [tilespmem:v6+s12+$0x0], vm0;
	_ =	sdelay $0x4  }
0x3f: {  	v10 =	vmax.f32 v10, v5  }
0x40: {  	[tilespmem:v6+s12+$0x0] =	vst.idx.msk vm0, v10  }
0x41: {  	v10 =	vld.idx.msk [tilespmem:v4+s12+$0x0], vm0;
	_ =	sdelay $0x4  }
0x42: {  	v10 =	vmax.f32 v10, v2  }
0x43: {  	[tilespmem:v4+s12+$0x0] =	vst.idx.msk vm0, v10  }
0x44: {  	v10 =	vld.idx.msk [tilespmem:v3+s12+$0x0], vm1;
	_ =	sdelay $0x4  }
0x45: {  	v10 =	vmax.f32 v10, v9  }
0x46: {  	[tilespmem:v3+s12+$0x0] =	vst.idx.msk vm1, v10  }
0x47: {  	v10 =	vld.idx.msk [tilespmem:v8+s12+$0x0], vm1;
	_ =	sdelay $0x4  }
0x48: {  	v10 =	vmax.f32 v10, v7  }
0x49: {  	[tilespmem:v8+s12+$0x0] =	vst.idx.msk vm1, v10  }
0x4a: {  	v10 =	vld.idx.msk [tilespmem:v6+s12+$0x0], vm1;
	_ =	sdelay $0x4  }
0x4b: {  	v10 =	vmax.f32 v10, v5  }
0x4c: {  	[tilespmem:v6+s12+$0x0] =	vst.idx.msk vm1, v10  }
0x4d: {  	v10 =	vld.idx.msk [tilespmem:v4+s12+$0x0], vm1;
	_ =	sdelay $0x4  }
0x4e: {  	v10 =	vmax.f32 v10, v2  }
0x4f: {  	[tilespmem:v4+s12+$0x0] =	vst.idx.msk vm1, v10  }
0x50: {  	v10 =	vld.idx.msk [tilespmem:v3+s12+$0x0], vm2;
	_ =	sdelay $0x4  }
0x51: {  	v10 =	vmax.f32 v10, v9  }
0x52: {  	[tilespmem:v3+s12+$0x0] =	vst.idx.msk vm2, v10  }
0x53: {  	v10 =	vld.idx.msk [tilespmem:v8+s12+$0x0], vm2;
	_ =	sdelay $0x4  }
0x54: {  	v10 =	vmax.f32 v10, v7  }
0x55: {  	[tilespmem:v8+s12+$0x0] =	vst.idx.msk vm2, v10  }
0x56: {  	v10 =	vld.idx.msk [tilespmem:v6+s12+$0x0], vm2;
	_ =	sdelay $0x4  }
0x57: {  	v10 =	vmax.f32 v10, v5  }
0x58: {  	[tilespmem:v6+s12+$0x0] =	vst.idx.msk vm2, v10  }
0x59: {  	v10 =	vld.idx.msk [tilespmem:v4+s12+$0x0], vm2;
	_ =	sdelay $0x4  }
0x5a: {  	v10 =	vmax.f32 v10, v2  }
0x5b: {  	[tilespmem:v4+s12+$0x0] =	vst.idx.msk vm2, v10  }
0x5c: {  	v10 =	vld.idx.msk [tilespmem:v3+s12+$0x0], vm3;
	_ =	sdelay $0x4  }
0x5d: {  	v10 =	vmax.f32 v10, v9  }
0x5e: {  	[tilespmem:v3+s12+$0x0] =	vst.idx.msk vm3, v10  }
0x5f: {  	v10 =	vld.idx.msk [tilespmem:v8+s12+$0x0], vm3;
	_ =	sdelay $0x4  }
0x60: {  	v10 =	vmax.f32 v10, v7  }
0x61: {  	[tilespmem:v8+s12+$0x0] =	vst.idx.msk vm3, v10  }
0x62: {  	v10 =	vld.idx.msk [tilespmem:v6+s12+$0x0], vm3;
	_ =	sdelay $0x4  }
0x63: {  	v10 =	vmax.f32 v10, v5  }
0x64: {  	[tilespmem:v6+s12+$0x0] =	vst.idx.msk vm3, v10  }
0x65: {  	v10 =	vld.idx.msk [tilespmem:v4+s12+$0x0], vm3;
	_ =	sdelay $0x4  }
0x66: {  	v10 =	vmax.f32 v10, v2  }
0x67: {  	[tilespmem:v4+s12+$0x0] =	vst.idx.msk vm3, v10  }
0x68: {  	v10 =	vld.idx.msk [tilespmem:v3+s12+$0x0], vm4;
	_ =	sdelay $0x4  }
0x69: {  	v10 =	vmax.f32 v10, v9  }
0x6a: {  	[tilespmem:v3+s12+$0x0] =	vst.idx.msk vm4, v10  }
0x6b: {  	v10 =	vld.idx.msk [tilespmem:v8+s12+$0x0], vm4;
	_ =	sdelay $0x4  }
0x6c: {  	v10 =	vmax.f32 v10, v7  }
0x6d: {  	[tilespmem:v8+s12+$0x0] =	vst.idx.msk vm4, v10  }
0x6e: {  	v10 =	vld.idx.msk [tilespmem:v6+s12+$0x0], vm4;
	_ =	sdelay $0x4  }
0x6f: {  	v10 =	vmax.f32 v10, v5  }
0x70: {  	[tilespmem:v6+s12+$0x0] =	vst.idx.msk vm4, v10  }
0x71: {  	v10 =	vld.idx.msk [tilespmem:v4+s12+$0x0], vm4;
	_ =	sdelay $0x4  }
0x72: {  	v10 =	vmax.f32 v10, v2  }
0x73: {  	[tilespmem:v4+s12+$0x0] =	vst.idx.msk vm4, v10  }
0x74: {  	v10 =	vld.idx.msk [tilespmem:v3+s12+$0x0], vm5;
	_ =	sdelay $0x4  }
0x75: {  	v10 =	vmax.f32 v10, v9  }
0x76: {  	[tilespmem:v3+s12+$0x0] =	vst.idx.msk vm5, v10  }
0x77: {  	v10 =	vld.idx.msk [tilespmem:v8+s12+$0x0], vm5;
	_ =	sdelay $0x4  }
0x78: {  	v10 =	vmax.f32 v10, v7  }
0x79: {  	[tilespmem:v8+s12+$0x0] =	vst.idx.msk vm5, v10  }
0x7a: {  	v10 =	vld.idx.msk [tilespmem:v6+s12+$0x0], vm5;
	_ =	sdelay $0x4  }
0x7b: {  	v10 =	vmax.f32 v10, v5  }
0x7c: {  	[tilespmem:v6+s12+$0x0] =	vst.idx.msk vm5, v10  }
0x7d: {  	v10 =	vld.idx.msk [tilespmem:v4+s12+$0x0], vm5;
	_ =	sdelay $0x4  }
0x7e: {  	v10 =	vmax.f32 v10, v2  }
0x7f: {  	[tilespmem:v4+s12+$0x0] =	vst.idx.msk vm5, v10  }
0x80: {  	v10 =	vld.idx.msk [tilespmem:v3+s12+$0x0], vm6;
	_ =	sdelay $0x4  }
0x81: {  	v10 =	vmax.f32 v10, v9  }
0x82: {  	[tilespmem:v3+s12+$0x0] =	vst.idx.msk vm6, v10  }
0x83: {  	v10 =	vld.idx.msk [tilespmem:v8+s12+$0x0], vm6;
	_ =	sdelay $0x4  }
0x84: {  	v10 =	vmax.f32 v10, v7  }
0x85: {  	[tilespmem:v8+s12+$0x0] =	vst.idx.msk vm6, v10  }
0x86: {  	v10 =	vld.idx.msk [tilespmem:v6+s12+$0x0], vm6;
	_ =	sdelay $0x4  }
0x87: {  	v10 =	vmax.f32 v10, v5  }
0x88: {  	[tilespmem:v6+s12+$0x0] =	vst.idx.msk vm6, v10  }
0x89: {  	v10 =	vld.idx.msk [tilespmem:v4+s12+$0x0], vm6;
	_ =	sdelay $0x4  }
0x8a: {  	v10 =	vmax.f32 v10, v2  }
0x8b: {  	[tilespmem:v4+s12+$0x0] =	vst.idx.msk vm6, v10  }
0x8c: {  	v10 =	vld.idx.msk [tilespmem:v3+s12+$0x0], vm7;
	_ =	sdelay $0x4  }
0x8d: {  	v10 =	vmax.f32 v10, v9  }
0x8e: {  	[tilespmem:v3+s12+$0x0] =	vst.idx.msk vm7, v10  }
0x8f: {  	v10 =	vld.idx.msk [tilespmem:v8+s12+$0x0], vm7;
	_ =	sdelay $0x4  }
0x90: {  	v10 =	vmax.f32 v10, v7  }
0x91: {  	[tilespmem:v8+s12+$0x0] =	vst.idx.msk vm7, v10  }
0x92: {  	v10 =	vld.idx.msk [tilespmem:v6+s12+$0x0], vm7;
	_ =	sdelay $0x4  }
0x93: {  	v10 =	vmax.f32 v10, v5  }
0x94: {  	[tilespmem:v6+s12+$0x0] =	vst.idx.msk vm7, v10  }
0x95: {  	v10 =	vld.idx.msk [tilespmem:v4+s12+$0x0], vm7;
	_ =	sdelay $0x4  }
0x96: {  	v10 =	vmax.f32 v10, v2  }
0x97: {  	[tilespmem:v4+s12+$0x0] =	vst.idx.msk vm7, v10  }
0x98: {  	v10 =	vld.idx.msk [tilespmem:v3+s12+$0x0], vm8;
	_ =	sdelay $0x4  }
0x99: {  	v10 =	vmax.f32 v10, v9  }
0x9a: {  	[tilespmem:v3+s12+$0x0] =	vst.idx.msk vm8, v10  }
0x9b: {  	v10 =	vld.idx.msk [tilespmem:v8+s12+$0x0], vm8;
	_ =	sdelay $0x4  }
0x9c: {  	v10 =	vmax.f32 v10, v7  }
0x9d: {  	[tilespmem:v8+s12+$0x0] =	vst.idx.msk vm8, v10  }
0x9e: {  	v10 =	vld.idx.msk [tilespmem:v6+s12+$0x0], vm8;
	_ =	sdelay $0x4  }
0x9f: {  	v10 =	vmax.f32 v10, v5  }
0xa0: {  	[tilespmem:v6+s12+$0x0] =	vst.idx.msk vm8, v10  }
0xa1: {  	v10 =	vld.idx.msk [tilespmem:v4+s12+$0x0], vm8;
	_ =	sdelay $0x4  }
0xa2: {  	v10 =	vmax.f32 v10, v2  }
0xa3: {  	[tilespmem:v4+s12+$0x0] =	vst.idx.msk vm8, v10  }
0xa4: {  	v10 =	vld.idx.msk [tilespmem:v3+s12+$0x0], vm9;
	_ =	sdelay $0x4  }
0xa5: {  	v10 =	vmax.f32 v10, v9  }
0xa6: {  	[tilespmem:v3+s12+$0x0] =	vst.idx.msk vm9, v10  }
0xa7: {  	v10 =	vld.idx.msk [tilespmem:v8+s12+$0x0], vm9;
	_ =	sdelay $0x4  }
0xa8: {  	v10 =	vmax.f32 v10, v7  }
0xa9: {  	[tilespmem:v8+s12+$0x0] =	vst.idx.msk vm9, v10  }
0xaa: {  	v10 =	vld.idx.msk [tilespmem:v6+s12+$0x0], vm9;
	_ =	sdelay $0x4  }
0xab: {  	v10 =	vmax.f32 v10, v5  }
0xac: {  	[tilespmem:v6+s12+$0x0] =	vst.idx.msk vm9, v10  }
0xad: {  	v10 =	vld.idx.msk [tilespmem:v4+s12+$0x0], vm9;
	_ =	sdelay $0x4  }
0xae: {  	v10 =	vmax.f32 v10, v2  }
0xaf: {  	[tilespmem:v4+s12+$0x0] =	vst.idx.msk vm9, v10  }
0xb0: {  	v10 =	vld.idx.msk [tilespmem:v3+s12+$0x0], vm10;
	_ =	sdelay $0x4  }
0xb1: {  	v10 =	vmax.f32 v10, v9  }
0xb2: {  	[tilespmem:v3+s12+$0x0] =	vst.idx.msk vm10, v10  }
0xb3: {  	v10 =	vld.idx.msk [tilespmem:v8+s12+$0x0], vm10;
	_ =	sdelay $0x4  }
0xb4: {  	v10 =	vmax.f32 v10, v7  }
0xb5: {  	[tilespmem:v8+s12+$0x0] =	vst.idx.msk vm10, v10  }
0xb6: {  	v10 =	vld.idx.msk [tilespmem:v6+s12+$0x0], vm10;
	_ =	sdelay $0x4  }
0xb7: {  	v10 =	vmax.f32 v10, v5  }
0xb8: {  	[tilespmem:v6+s12+$0x0] =	vst.idx.msk vm10, v10  }
0xb9: {  	v10 =	vld.idx.msk [tilespmem:v4+s12+$0x0], vm10;
	_ =	sdelay $0x4  }
0xba: {  	v10 =	vmax.f32 v10, v2  }
0xbb: {  	[tilespmem:v4+s12+$0x0] =	vst.idx.msk vm10, v10  }
0xbc: {  	v10 =	vld.idx.msk [tilespmem:v3+s12+$0x0], vm11;
	_ =	sdelay $0x4  }
0xbd: {  	v10 =	vmax.f32 v10, v9  }
0xbe: {  	[tilespmem:v3+s12+$0x0] =	vst.idx.msk vm11, v10  }
0xbf: {  	v10 =	vld.idx.msk [tilespmem:v8+s12+$0x0], vm11;
	_ =	sdelay $0x4  }
0xc0: {  	v10 =	vmax.f32 v10, v7  }
0xc1: {  	[tilespmem:v8+s12+$0x0] =	vst.idx.msk vm11, v10  }
0xc2: {  	v10 =	vld.idx.msk [tilespmem:v6+s12+$0x0], vm11;
	_ =	sdelay $0x4  }
0xc3: {  	v10 =	vmax.f32 v10, v5  }
0xc4: {  	[tilespmem:v6+s12+$0x0] =	vst.idx.msk vm11, v10  }
0xc5: {  	v10 =	vld.idx.msk [tilespmem:v4+s12+$0x0], vm11;
	_ =	sdelay $0x4  }
0xc6: {  	v10 =	vmax.f32 v10, v2  }
0xc7: {  	[tilespmem:v4+s12+$0x0] =	vst.idx.msk vm11, v10  }
0xc8: {  	v10 =	vld.idx.msk [tilespmem:v3+s12+$0x0], vm12;
	_ =	sdelay $0x4  }
0xc9: {  	v10 =	vmax.f32 v10, v9  }
0xca: {  	[tilespmem:v3+s12+$0x0] =	vst.idx.msk vm12, v10  }
0xcb: {  	v10 =	vld.idx.msk [tilespmem:v8+s12+$0x0], vm12;
	_ =	sdelay $0x4  }
0xcc: {  	v10 =	vmax.f32 v10, v7  }
0xcd: {  	[tilespmem:v8+s12+$0x0] =	vst.idx.msk vm12, v10  }
0xce: {  	v10 =	vld.idx.msk [tilespmem:v6+s12+$0x0], vm12;
	_ =	sdelay $0x4  }
0xcf: {  	v10 =	vmax.f32 v10, v5  }
0xd0: {  	[tilespmem:v6+s12+$0x0] =	vst.idx.msk vm12, v10  }
0xd1: {  	v10 =	vld.idx.msk [tilespmem:v4+s12+$0x0], vm12;
	_ =	sdelay $0x4  }
0xd2: {  	v10 =	vmax.f32 v10, v2  }
0xd3: {  	[tilespmem:v4+s12+$0x0] =	vst.idx.msk vm12, v10  }
0xd4: {  	v10 =	vld.idx.msk [tilespmem:v3+s12+$0x0], vm13;
	_ =	sdelay $0x4  }
0xd5: {  	v10 =	vmax.f32 v10, v9  }
0xd6: {  	[tilespmem:v3+s12+$0x0] =	vst.idx.msk vm13, v10  }
0xd7: {  	v10 =	vld.idx.msk [tilespmem:v8+s12+$0x0], vm13;
	_ =	sdelay $0x4  }
0xd8: {  	v10 =	vmax.f32 v10, v7  }
0xd9: {  	[tilespmem:v8+s12+$0x0] =	vst.idx.msk vm13, v10  }
0xda: {  	v10 =	vld.idx.msk [tilespmem:v6+s12+$0x0], vm13;
	_ =	sdelay $0x4  }
0xdb: {  	v10 =	vmax.f32 v10, v5  }
0xdc: {  	[tilespmem:v6+s12+$0x0] =	vst.idx.msk vm13, v10  }
0xdd: {  	v10 =	vld.idx.msk [tilespmem:v4+s12+$0x0], vm13;
	_ =	sdelay $0x4  }
0xde: {  	v10 =	vmax.f32 v10, v2  }
0xdf: {  	[tilespmem:v4+s12+$0x0] =	vst.idx.msk vm13, v10  }
0xe0: {  	v10 =	vld.idx.msk [tilespmem:v3+s12+$0x0], vm14;
	_ =	sdelay $0x4  }
0xe1: {  	v63 =	vmax.f32 v10, v9  }
0xe2: {  	[tilespmem:v3+s12+$0x0] =	vst.idx.msk vm14, v63  }
0xe3: {  	v3 =	vld.idx.msk [tilespmem:v8+s12+$0x0], vm14;
	_ =	sdelay $0x4  }
0xe4: {  	v3 =	vmax.f32 v3, v7  }
0xe5: {  	[tilespmem:v8+s12+$0x0] =	vst.idx.msk vm14, v3  }
0xe6: {  	v3 =	vld.idx.msk [tilespmem:v6+s12+$0x0], vm14;
	_ =	sdelay $0x4  }
0xe7: {  	v3 =	vmax.f32 v3, v5  }
0xe8: {  	[tilespmem:v6+s12+$0x0] =	vst.idx.msk vm14, v3  }
0xe9: {  	v3 =	vld.idx.msk [tilespmem:v4+s12+$0x0], vm14;
	_ =	sdelay $0x4  }
0xea: {  	v2 =	vmax.f32 v3, v2  }
0xeb: {  	[tilespmem:v4+s12+$0x0] =	vst.idx.msk vm14, v2  }
.LBB2_8:
0xec: {  	s16 =	sadd.s32 $0x40, s16  }
0xed: {  	p0 =	sne.s32 s16, $0x1F40  }
.Ltmp6:
0xee: {  	_ = 	snop;
	(pc) =	sbr.rel @!p0 .LBB2_9-.Ltmp6, $1  }
0xef: {  	_ =	sdelay $0x3  }
.LBB2_5:
0xf0: {  	s17 =	sshra.s32 s16, $0x2  }
0xf1: {  	v3 =	vld [tilespmem:s17+$0x800];
	_ =	sdelay $0x7  }
0xf2: {  	v2 =	vld [tilespmem:s17+$0x0];
	[tilespmem:v3+s11+$0x0] =	vst.idx.msk $0xffff, v1  }
0xf3: {  	v4 =	vld.idx.msk [tilespmem:v3+s11+$0x0], $0xffff;
	_ =	sdelay $0x4  }
0xf4: {  	vm15 =	vne.s32 v4, v1  }
0xf5: {  	v4 =	vmpcnt.ones.xlane vm15;
	_ =	sdelay $0x1  }
0xf6: {  	(v2sf) =	vpush v4, $0x0;
	_ =	sdelay $0xd  }
0xf7: {  	v5 =	vadd.s32 $0x5000, v2  }
0xf8: {  	v6 =	vadd.s32 $0x7800, v2;
	s31 =	spop (v2sf)  }
0xf9: {  	v4 =	vadd.s32 $0x2800, v2;
	p0 =	sne.s32 s31, $0x0  }
.Ltmp7:
0xfa: {  	_ = 	snop;
	(pc) =	sbr.rel @p0 .LBB2_7-.Ltmp7, $4  }
0xfb: {  	v9 =	vld.idx.msk [tilespmem:v2+s8+$0x0], $0xffff  }
0xfc: {  	v5 =	vld.idx.msk [tilespmem:v5+s8+$0x0], $0xffff  }
0xfd: {  	v2 =	vld.idx.msk [tilespmem:v6+s8+$0x0], $0xffff  }
0xfe: {  	v8 =	vadd.s32 $0x2800, v3;
	v6 =	vadd.s32 $0x5000, v3;
	v7 =	vld.idx.msk [tilespmem:v4+s8+$0x0], $0xffff;
	v4 =	vadd.s32 $0x7800, v3  }
0xff: {  	_ =	sdelay $0x3  }
0x100: {  	v10 =	vld.idx.msk [tilespmem:v3+s12+$0x0], $0xffff;
	_ =	sdelay $0x4  }
0x101: {  	v9 =	vmax.f32 v10, v9  }
0x102: {  	[tilespmem:v3+s12+$0x0] =	vst.idx.msk $0xffff, v9  }
0x103: {  	v3 =	vld.idx.msk [tilespmem:v8+s12+$0x0], $0xffff;
	_ =	sdelay $0x4  }
0x104: {  	v3 =	vmax.f32 v3, v7  }
0x105: {  	[tilespmem:v8+s12+$0x0] =	vst.idx.msk $0xffff, v3  }
0x106: {  	v3 =	vld.idx.msk [tilespmem:v6+s12+$0x0], $0xffff;
	_ =	sdelay $0x4  }
0x107: {  	v3 =	vmax.f32 v3, v5  }
0x108: {  	[tilespmem:v6+s12+$0x0] =	vst.idx.msk $0xffff, v3  }
0x109: {  	v3 =	vld.idx.msk [tilespmem:v4+s12+$0x0], $0xffff;
	_ =	sdelay $0x1  }
.Ltmp8:
0x10a: {  	_ = 	snop;
	(pc) =	sbr.rel .LBB2_8-.Ltmp8, $3  }
0x10b: {  	_ =	sdelay $0x1  }
0x10c: {  	v2 =	vmax.f32 v3, v2  }
0x10d: {  	[tilespmem:v4+s12+$0x0] =	vst.idx.msk $0xffff, v2  }
.LBB2_11:
0x10e: {  	_ =	sfence.sel $0x180000  }
0x10f: {  	[bflag:$0x0] =	sbarrier.arrive $0xFFFF  }
0x110: {  	p0 =	sne.s32 s0, $0x0;
	_ =	strace $0x9000004A  }
0x111: {  	s0 =	sadd.s32 @!p0 $0x100000, s1;
	[bflag:$0x2] =	sbarrier.arrive $0xFFFF  }
0x112: {  	[sflag:s0] =	ssyncadd.tile.s32 @!p0 $0x1;
	_ =	shalt  }
.Lfunc_end2:
_tile_overlayer_lowered:
.L_overlay_start_2:
0x113: {  	(tag) =	ssettag $0x2  }
0x114: {  	s0 =	rddreg [dreg:$0x0];
	s2 =	stileid.u32  }
0x115: {  	s1 =	rddreg [dreg:$0x1];
	p0 =	sne.s32 s2, $0x0  }
0x116: {  	s3 =	rddreg [dreg:$0x2];
	[bflag:$0x3] =	sbarrier.arrive $0xFFFF;
	s2 =	simm.s32 @!p0 $0x1C01  }
0x117: {  	[timem:s3], [sflag:s2] =	dma.local @!p0 [hbm:s0], s1  }
0x118: {  	s0 =	simm.s32 @!p0 $0x1  }
0x119: {  	_ =	swait.ge @!p0 [sflag:s0], s1  }
0x11a: {  	s1 =	ssub.s32 @!p0 $0x0, s1;
	[sflag:s0] =	ssyncset.done @!p0 $0x0  }
0x11b: {  	[sflag:s0] =	ssyncadd.s32 @!p0 s1  }
0x11c: {  	[bflag:$0x3] =	sbarrier.arrive $0xFFFF  }
0x11d: {  	_ =	shalt  }

// kernel: kernel.7.cloned.1.call-start
scs
__scs_entry_jumppad:
0x0: {  	(pc) =	sbr.rel $0x88, $3  }
0x1: {  	(tag) =	ssettag $0x0;
	lr =	simm.s32 $0x1  }
0x2: {  	[smem:$0x3F95] =	sst lr;
	_ =	strace $0xD0000000  }
0x3: {  	_ = 	snop  }
0x4: {  	_ = 	snop  }
0x5: {  	_ = 	snop  }
0x6: {  	_ = 	snop  }
0x7: {  	_ = 	snop  }
__scs_overlays_trampoline_lowered:
0x8: {  	[smem:$0x3FA4] =	sst s0  }
0x9: {  	[smem:$0x3FA5] =	sst s1  }
0xa: {  	[smem:$0x3FA6] =	sst s2  }
0xb: {  	[smem:$0x3FA7] =	sst s3  }
0xc: {  	[smem:$0x3FA8] =	sst s4  }
0xd: {  	[smem:$0x3FA9] =	sst s5  }
0xe: {  	[smem:$0x3FAA] =	sst s6  }
0xf: {  	[smem:$0x3FAB] =	sst s7  }
0x10: {  	[smem:$0x3FAC] =	sst s8  }
0x11: {  	[smem:$0x3FAD] =	sst s9;
	s0 =	simm.s32 @!p0 $0x0  }
0x12: {  	s1 =	sld [smem:$0x3F93];
	s0 =	simm.s32 @p0 $0x1  }
0x13: {  	[smem:$0x3FAE] =	sst s0;
	s0 =	simm.s32 @!p1 $0x0  }
0x14: {  	s2 =	sld [smem:$0x3F92];
	s0 =	simm.s32 @p1 $0x1  }
0x15: {  	[smem:$0x3FAF] =	sst s0;
	s0 =	simm.s32 @!p2 $0x0  }
0x16: {  	s3 =	sld [smem:$0x3FDB];
	s0 =	simm.s32 @p2 $0x1  }
0x17: {  	s4 =	simm.s32 $0x1BF5;
	[smem:$0x3FB1] =	sst s0  }
0x18: {  	s0 =	sld [smem:$0x3F94];
	_ =	swait.ge [sflag:s4], $0x0  }
0x19: {  	s7 =	sld [smem:$0x3F95]  }
0x1a: {  	s8 =	sadd.s32 $0xFFFFE003, lr  }
0x1b: {  	s9 =	sadd.s32 $0xFFFFFEF7, lr;
	s5 =	simm.s32 $0xFFFFFFFF;
	p2 =	slt.u32 s8, $0xFFFFF086  }
0x1c: {  	p1 =	slt.u32 s9, $0xF7A;
	s5 =	simm.s32 @!p2 $0x0  }
0x1d: {  	s5 =	simm.s32 @p1 $0x1;
	p0 =	seq.s32 s7, s2  }
0x1e: {  	s7 =	smul.u32 @!p0 $0xF7A, s2;
	p2 =	seq.s32 @!p0 s5, $0x0  }
0x1f: {  	s9 =	smul.u32 $0xF7A, s1;
	s8 =	simm.s32 @!p0 $0x1BF5;
	p2 =	por !p2, p0  }
0x20: {  	[sflag:s8] =	ssyncset.s32 @!p0 $0xFFFFF086;
	s6 =	sadd.s32 @!p0 s3, s7;
	s7 =	simm.s32 @!p0 $0x108  }
0x21: {  	s3 =	sadd.s32 s3, s9;
	s6 =	sadd.s32 @!p0 $0x88, s6;
	s7 =	simm.s32 @p2 $0x1082  }
0x22: {  	[simem:s7], [sflag:s8] =	dma.local @!p0 [hbm:s6], $0xF7A  }
0x23: {  	s9 =	sor.u32 $0xD0000000, s2;
	s6 =	simm.s32 $0x108;
	_ =	swait.ge @!p0 [sflag:s8], $0x0  }
0x24: {  	s3 =	sadd.s32 $0x88, s3;
	s6 =	simm.s32 @!p1 $0x1082;
	[sflag:s4] =	ssyncset.s32 $0xFFFFF086  }
0x25: {  	[simem:s6], [sflag:s4] =	dma.local [hbm:s3], $0xF7A  }
0x26: {  	[smem:$0x3F95] =	sst s1;
	(tag) =	ssettag s2;
	_ =	strace s9  }
0x27: {  	s1 =	sld [smem:$0x3FA5]  }
0x28: {  	s2 =	sld [smem:$0x3FA6]  }
0x29: {  	s4 =	sld [smem:$0x3FA8]  }
0x2a: {  	p0 =	seq.s32 s5, $0x0;
	s5 =	sld [smem:$0x3FA9]  }
0x2b: {  	s6 =	sld [smem:$0x3FAA]  }
0x2c: {  	s7 =	sld [smem:$0x3FAB]  }
0x2d: {  	s3 =	simm.s32 $0x108;
	s8 =	sld [smem:$0x3FAC]  }
0x2e: {  	s3 =	simm.s32 @!p0 $0x1082;
	s9 =	sld [smem:$0x3FAD]  }
0x2f: {  	lr =	sadd.s32 s0, s3;
	s0 =	sld [smem:$0x3FA4]  }
0x30: {  	s3 =	sld [smem:$0x3FA7]  }
0x31: {  	[smem:$0x3FB0] =	sst s10  }
0x32: {  	s10 =	sld [smem:$0x3FAE];
	_ =	sdelay $0x3  }
0x33: {  	p0 =	seq.s32 s10, $0x1;
	s10 =	sld [smem:$0x3FB0];
	_ =	sdelay $0x3  }
0x34: {  	[smem:$0x3FB0] =	sst s10  }
0x35: {  	s10 =	sld [smem:$0x3FAF];
	_ =	sdelay $0x3  }
0x36: {  	p1 =	seq.s32 s10, $0x1;
	s10 =	sld [smem:$0x3FB0];
	_ =	sdelay $0x3  }
0x37: {  	[smem:$0x3FB0] =	sst s10  }
0x38: {  	s10 =	sld [smem:$0x3FB1]  }
0x39: {  	_ = 	snop;
	(pc) =	sbr.ind lr, $3  }
0x3a: {  	_ = 	snop  }
0x3b: {  	_ = 	snop  }
0x3c: {  	p2 =	seq.s32 s10, $0x1;
	s10 =	sld [smem:$0x3FB0]  }
0x3d: {  	_ =	shalt  }
0x3e: {  	_ =	shalt  }
0x3f: {  	_ =	shalt  }
0x40: {  	_ =	shalt  }
0x41: {  	_ =	shalt  }
0x42: {  	_ =	shalt  }
0x43: {  	_ =	shalt  }
0x44: {  	_ =	shalt  }
0x45: {  	_ =	shalt  }
0x46: {  	_ =	shalt  }
0x47: {  	_ =	shalt  }
0x48: {  	_ =	shalt  }
0x49: {  	_ =	shalt  }
0x4a: {  	_ =	shalt  }
0x4b: {  	_ =	shalt  }
0x4c: {  	_ =	shalt  }
0x4d: {  	_ =	shalt  }
0x4e: {  	_ =	shalt  }
0x4f: {  	_ =	shalt  }
0x50: {  	_ =	shalt  }
0x51: {  	_ =	shalt  }
0x52: {  	_ =	shalt  }
0x53: {  	_ =	shalt  }
0x54: {  	_ =	shalt  }
0x55: {  	_ =	shalt  }
0x56: {  	_ =	shalt  }
0x57: {  	_ =	shalt  }
0x58: {  	_ =	shalt  }
0x59: {  	_ =	shalt  }
0x5a: {  	_ =	shalt  }
0x5b: {  	_ =	shalt  }
0x5c: {  	_ =	shalt  }
0x5d: {  	_ =	shalt  }
0x5e: {  	_ =	shalt  }
0x5f: {  	_ =	shalt  }
0x60: {  	_ =	shalt  }
0x61: {  	_ =	shalt  }
0x62: {  	_ =	shalt  }
0x63: {  	_ =	shalt  }
0x64: {  	_ =	shalt  }
0x65: {  	_ =	shalt  }
0x66: {  	_ =	shalt  }
0x67: {  	_ =	shalt  }
0x68: {  	_ =	shalt  }
0x69: {  	_ =	shalt  }
0x6a: {  	_ =	shalt  }
0x6b: {  	_ =	shalt  }
0x6c: {  	_ =	shalt  }
0x6d: {  	_ =	shalt  }
0x6e: {  	_ =	shalt  }
0x6f: {  	_ =	shalt  }
0x70: {  	_ =	shalt  }
0x71: {  	_ =	shalt  }
0x72: {  	_ =	shalt  }
0x73: {  	_ =	shalt  }
0x74: {  	_ =	shalt  }
0x75: {  	_ =	shalt  }
0x76: {  	_ =	shalt  }
0x77: {  	_ =	shalt  }
0x78: {  	_ =	shalt  }
0x79: {  	_ =	shalt  }
0x7a: {  	_ =	shalt  }
0x7b: {  	_ =	shalt  }
0x7c: {  	_ =	shalt  }
0x7d: {  	_ =	shalt  }
0x7e: {  	_ =	shalt  }
0x7f: {  	_ =	shalt  }
0x80: {  	_ =	shalt  }
0x81: {  	_ =	shalt  }
0x82: {  	_ =	shalt  }
0x83: {  	_ =	shalt  }
0x84: {  	_ =	shalt  }
0x85: {  	_ =	shalt  }
0x86: {  	_ =	shalt  }
0x87: {  	_ =	shalt  }
.Lfunc_end0:
.L_simem_size_0:
called_computation_lowered:
.L_overlay_start_0:
0x88: {  	s2 =	sld [smem:$0x3FD9]  }
0x89: {  	s3 =	sld [smem:$0x3FFE];
	_ =	sdelay $0x1  }
0x8a: {  	s1 =	srdreg.scid  }
0x8b: {  	s0 =	sand.u32 $0x1, s1  }
0x8c: {  	s17 =	sshll.u32 s0, $0xA;
	s2 =	sadd.s32 s3, s2  }
0x8d: {  	s2 =	sadd.s32 s2, s17  }
0x8e: {  	[smem:$0x3FBC] =	sst s2  }
0x8f: {  	_ = 	snop  }
0x90: {  	s2 =	sld [smem:$0x3FD0];
	(tm) =	ssettm $0x1  }
0x91: {  	s18 =	sld [smem:$0x3FFB];
	_ =	sdelay $0x3  }
0x92: {  	_ =	strace s18  }
0x93: {  	s3 =	sld [smem:$0x3FFC];
	_ =	sdelay $0x3  }
0x94: {  	_ =	strace s3  }
0x95: {  	s3 =	sld [smem:$0x3FFD];
	_ =	sdelay $0x3  }
0x96: {  	_ =	strace s3  }
0x97: {  	_ =	strace $0x8FFFFFFF  }
0x98: {  	s19 =	sld [smem:$0x3FDB];
	_ =	sdelay $0x1  }
0x99: {  	s4 =	simm.s32 $_scs_section_size  }
0x9a: {  	s5 =	simm.s32 $_size__tile_overlayer_lowered;
	s6 =	simm.s32 $_tile_overlayer_lowered  }
0x9b: {  	s22 =	simm.s32 $0x1BFF;
	s21 =	sshll.u32 s6, $0x1;
	s3 =	sadd.s32 s4, s19  }
0x9c: {  	s7 =	simm.s32 $0x0;
	s20 =	sshll.u32 s5, $0x1;
	s5 =	sadd.s32 s21, s3  }
0x9d: {  	[timem:s7], [sflag:s22] =	dma.local [hbm:s5], s20  }
0x9e: {  	_ =	swait.ge [sflag:s22], s20  }
0x9f: {  	s4 =	ssub.s32 $0x0, s20;
	[sflag:s22] =	ssyncset.done $0x0  }
0xa0: {  	[sflag:s22] =	ssyncadd.s32 s4;
	_ =	sdelay $0x1  }
0xa1: {  	s23 =	simm.s32 $0x1B8B  }
0xa2: {  	_ =	swait.ge [sflag:s23], $0x1  }
0xa3: {  	[sflag:s23] =	ssyncset.done $0x0  }
0xa4: {  	s25 =	simm.s32 $0x1B8E;
	s24 =	sld [smem:$0x3FFE];
	[sflag:s23] =	ssyncadd.s32 $0xFFFFFFFF  }
0xa5: {  	s26 =	simm.s32 $execute0_lowered;
	[smem:$0x3FD2] =	sst s25  }
0xa6: {  	s5 =	sshll.u32 s26, $0x1;
	_ =	strace $0x80000046;
	[dreg:$0x1] =	wrdreg $0xFFFFFFFF  }
0xa7: {  	s28 =	simm.s32 $_size_execute0_lowered;
	s3 =	sadd.s32 s3, s5;
	[dreg:$0x0] =	wrdreg $0x0  }
0xa8: {  	s5 =	sshll.u32 s28, $0x1;
	[dreg:$0x2] =	wrdreg s3  }
0xa9: {  	[dreg:$0x3] =	wrdreg s5  }
0xaa: {  	[dreg:$0x4] =	wrdreg $0xC0  }
0xab: {  	_ =	task [dreg:s7], $0x5FFFF  }
0xac: {  	[dreg:$0x1] =	wrdreg $0xFFFFFFFF  }
0xad: {  	[dreg:$0x0] =	wrdreg $0x60  }
0xae: {  	[dreg:$0x2] =	wrdreg s24  }
0xaf: {  	[dreg:$0x3] =	wrdreg s2  }
0xb0: {  	[dreg:$0x4] =	wrdreg $0x9  }
0xb1: {  	_ =	task.clear_ibuf [dreg:s7], $0x5FFFF;
	_ =	strace $0x90000046  }
0xb2: {  	s29 =	simm.s32 $0x9;
	_ =	strace $0x80000048  }
0xb3: {  	_ =	swait.ge [sflag:s29], $0x1  }
0xb4: {  	[sflag:s29] =	ssyncadd.s32 $0xFFFFFFFF  }
0xb5: {  	_ =	strace $0x90000048  }
0xb6: {  	_ =	sfence  }
0xb7: {  	s30 =	sld [smem:$0x0];
	_ =	sdelay $0x2  }
0xb8: {  	s31 =	sshll.u32 s1, $0xD;
	s1 =	sshrl.u32 s1, $0x2  }
0xb9: {  	s3 =	sand.u32 $0x4000, s31;
	s1 =	sadd.s32 s1, s30  }
0xba: {  	s0 =	sor.u32 s3, s0;
	s1 =	sshll.u32 s1, $0x11  }
0xbb: {  	s0 =	sor.u32 s1, s0  }
0xbc: {  	s0 =	sadd.s32 $0x8F2B, s0  }
0xbd: {  	[sflag:s0] =	ssyncadd.remote.s32 $0x1  }
0xbe: {  	_ =	sfence.sel $0xFFFF  }
0xbf: {  	[dreg:$0x0] =	wrdreg $0xFFFFFFFF;
	(pc) =	sbr.abs _section_cstart, $3  }
0xc0: {  	[dreg:$0x1] =	wrdreg $0xFFFFFFFF  }
0xc1: {  	_ =	task.clear_ibuf [dreg:s7], $0x2FFFF;
	_ =	strace $0x9FFFFFFF  }
0xc2: {  	(tm) =	ssettm $0x7FFFFFFF  }
0xc3: {  	_ =	shalt  }
tec
execute0_lowered:
.L_overlay_start_1:
0x0: {  	(tag) =	ssettag $0x1  }
0x1: {  	s5 =	rddreg [dreg:$0x0]  }
0x2: {  	s1 =	srdreg.scid;
	s0 =	stileid.u32  }
0x3: {  	s2 =	rddreg [dreg:$0x1];
	s3 =	simm.s32 $0x0;
	s9 =	simm.s32 $0x1  }
0x4: {  	s10 =	simm.s32 $0x800;
	s11 =	simm.s32 $0x15000;
	s12 =	simm.s32 $0xB000  }
0x5: {  	v0 =	vimm.f32 $0.0e+00;
	v1 =	vlaneseq.u32;
	s13 =	simm.s32 $0x0;
	s4 =	sand.u32 $0x1, s1;
	s6 =	sshll.u32 s0, $0x1  }
.Ltmp0:
0x6: {  	vm0 =	vcmask $0x704;
	vm1 =	vcmask $0xB08;
	vm2 =	vcmask $0xF0C;
	s1 =	rddreg [dreg:$0x2];
	s6 =	sor.u32 s4, s6;
	(pc) =	sbr.rel .LBB2_1-.Ltmp0, $4  }
0x7: {  	vm3 =	vcmask $0x1310;
	vm4 =	vcmask $0x1714;
	vm5 =	vcmask $0x1B18;
	[smem:$0x7FF] =	sst s3;
	s7 =	ssub.s32 $0x2, s4;
	s6 =	smul.u32 $0x1400, s6  }
0x8: {  	vm6 =	vcmask $0x1F1C;
	vm7 =	vcmask $0x2320;
	vm8 =	vcmask $0x2724;
	_ =	strace $0x80000047;
	s4 =	sadd.s32 $0x1A00, s5;
	s8 =	sshrl.u32 s7, $0x1  }
0x9: {  	vm9 =	vcmask $0x2B28;
	vm10 =	vcmask $0x2F2C;
	vm11 =	vcmask $0x3330;
	s7 =	ssub.s32 s7, s8;
	s8 =	simm.s32 $0x1000;
	s6 =	sadd.s32 s6, s5  }
0xa: {  	vm12 =	vcmask $0x3734;
	vm13 =	vcmask $0x3B38;
	vm14 =	vcmask $0x3F3C;
	s7 =	smax.u32 s7, $0x1;
	s5 =	sadd.s32 $0xB800, s6;
	s6 =	sadd.s32 $0x33800, s6  }
.LBB2_10:
0xb: {  	s13 =	sadd.s32 $0x1, s13  }
0xc: {  	p0 =	sne.s32 s13, s7  }
.Ltmp1:
0xd: {  	_ = 	snop;
	(pc) =	sbr.rel @!p0 .LBB2_11-.Ltmp1, $4  }
0xe: {  	[hbm4b:s6+s3] =	stream.linear.scatter [tilespmem:s12], [sflag:$0x1], $0xA000, $0x38;
	[tilespmem:$0x17800] =	vst v63  }
0xf: {  	_ =	swait.ge [sflag:s9], $0xA000  }
0x10: {  	[sflag:s9] =	ssyncset.done $0x0  }
0x11: {  	[sflag:s9] =	ssyncadd.s32 $0xFFFF6000  }
.LBB2_1:
0x12: {  	[tilespmem:s8], [sflag:$0x1] =	stream.linear.gather [hbm4b:s5+s3], $0xA000, $0x38;
	[tilespmem:$0x17800] =	vst v63  }
0x13: {  	_ =	swait.ge [sflag:s9], $0xA000  }
0x14: {  	[sflag:s9] =	ssyncset.done $0x0  }
0x15: {  	s14 =	simm.s32 $0x40;
	s15 =	simm.s32 $0x0;
	[sflag:s9] =	ssyncadd.s32 $0xFFFF6000  }
.LBB2_2:
0x16: {  	p0 =	sne.s32 s14, $0x27FC0;
	[tilespmem:s15+$0xB000] =	vst v0;
	s15 =	smov.u32 s14;
	s14 =	sadd.s32 $0x40, s14  }
.Ltmp2:
0x17: {  	(pc) =	sbr.rel @p0 .LBB2_2-.Ltmp2, $2  }
0x18: {  	_ =	sdelay $0x2  }
0x19: {  	s15 =	sshra.s32 s15, $0x2  }
.Ltmp3:
0x1a: {  	(pc) =	sbr.rel .LBB2_4-.Ltmp3, $2  }
0x1b: {  	_ =	sdelay $0x2  }
0x1c: {  	[tilespmem:s15+$0xB000] =	vst v0;
	s14 =	simm.s32 $0x0;
	s15 =	simm.s32 $0x0  }
.LBB2_9:
0x1d: {  	s15 =	sadd.s32 $0x1, s15  }
0x1e: {  	p0 =	sne.s32 s15, $0xA0  }
.Ltmp4:
0x1f: {  	_ = 	snop;
	(pc) =	sbr.rel @!p0 .LBB2_10-.Ltmp4, $1  }
0x20: {  	_ =	sdelay $0x3  }
.LBB2_4:
0x21: {  	s16 =	smul.u32 $0xFA, s15;
	_ =	sdelay $0x1  }
0x22: {  	s17 =	sadd.s32 s4, s16  }
0x23: {  	[tilespmem:s14], [sflag:$0x1] =	stream.linear.gather [hbm4b:s17+s14], $0x7D0, $0x38;
	[tilespmem:$0x17800] =	vst v63  }
0x24: {  	_ =	swait.ge [sflag:s9], $0x7D0  }
0x25: {  	[sflag:s9] =	ssyncset.done $0x0  }
.Ltmp5:
0x26: {  	s16 =	sadd.s32 s2, s16;
	[sflag:s9] =	ssyncadd.s32 $0xFFFFF830;
	(pc) =	sbr.rel .LBB2_5-.Ltmp5, $4  }
0x27: {  	[tilespmem:s10], [sflag:$0x1] =	stream.linear.gather [hbm4b:s16+s14], $0x7D0, $0x38;
	[tilespmem:$0x17800] =	vst v63  }
0x28: {  	_ =	swait.ge [sflag:s9], $0x7D0  }
0x29: {  	[sflag:s9] =	ssyncset.done $0x0  }
0x2a: {  	s16 =	simm.s32 $0x0;
	[sflag:s9] =	ssyncadd.s32 $0xFFFFF830  }
.LBB2_7:
0x2b: {  	_ =	sdelay $0x3  }
0x2c: {  	v10 =	vld.idx.msk [tilespmem:v3+s12+$0x0], $0x1;
	_ =	sdelay $0x4  }
0x2d: {  	v10 =	vmax.f32 v10, v9  }
0x2e: {  	[tilespmem:v3+s12+$0x0] =	vst.idx.msk $0x1, v10  }
0x2f: {  	v10 =	vld.idx.msk [tilespmem:v8+s12+$0x0], $0x1;
	_ =	sdelay $0x4  }
0x30: {  	v10 =	vmax.f32 v10, v7  }
0x31: {  	[tilespmem:v8+s12+$0x0] =	vst.idx.msk $0x1, v10  }
0x32: {  	v10 =	vld.idx.msk [tilespmem:v6+s12+$0x0], $0x1;
	_ =	sdelay $0x4  }
0x33: {  	v10 =	vmax.f32 v10, v5  }
0x34: {  	[tilespmem:v6+s12+$0x0] =	vst.idx.msk $0x1, v10  }
0x35: {  	v10 =	vld.idx.msk [tilespmem:v4+s12+$0x0], $0x1;
	_ =	sdelay $0x4  }
0x36: {  	v10 =	vmax.f32 v10, v2  }
0x37: {  	[tilespmem:v4+s12+$0x0] =	vst.idx.msk $0x1, v10  }
0x38: {  	v10 =	vld.idx.msk [tilespmem:v3+s12+$0x0], vm0;
	_ =	sdelay $0x4  }
0x39: {  	v10 =	vmax.f32 v10, v9  }
0x3a: {  	[tilespmem:v3+s12+$0x0] =	vst.idx.msk vm0, v10  }
0x3b: {  	v10 =	vld.idx.msk [tilespmem:v8+s12+$0x0], vm0;
	_ =	sdelay $0x4  }
0x3c: {  	v10 =	vmax.f32 v10, v7  }
0x3d: {  	[tilespmem:v8+s12+$0x0] =	vst.idx.msk vm0, v10  }
0x3e: {  	v10 =	vld.idx.msk [tilespmem:v6+s12+$0x0], vm0;
	_ =	sdelay $0x4  }
0x3f: {  	v10 =	vmax.f32 v10, v5  }
0x40: {  	[tilespmem:v6+s12+$0x0] =	vst.idx.msk vm0, v10  }
0x41: {  	v10 =	vld.idx.msk [tilespmem:v4+s12+$0x0], vm0;
	_ =	sdelay $0x4  }
0x42: {  	v10 =	vmax.f32 v10, v2  }
0x43: {  	[tilespmem:v4+s12+$0x0] =	vst.idx.msk vm0, v10  }
0x44: {  	v10 =	vld.idx.msk [tilespmem:v3+s12+$0x0], vm1;
	_ =	sdelay $0x4  }
0x45: {  	v10 =	vmax.f32 v10, v9  }
0x46: {  	[tilespmem:v3+s12+$0x0] =	vst.idx.msk vm1, v10  }
0x47: {  	v10 =	vld.idx.msk [tilespmem:v8+s12+$0x0], vm1;
	_ =	sdelay $0x4  }
0x48: {  	v10 =	vmax.f32 v10, v7  }
0x49: {  	[tilespmem:v8+s12+$0x0] =	vst.idx.msk vm1, v10  }
0x4a: {  	v10 =	vld.idx.msk [tilespmem:v6+s12+$0x0], vm1;
	_ =	sdelay $0x4  }
0x4b: {  	v10 =	vmax.f32 v10, v5  }
0x4c: {  	[tilespmem:v6+s12+$0x0] =	vst.idx.msk vm1, v10  }
0x4d: {  	v10 =	vld.idx.msk [tilespmem:v4+s12+$0x0], vm1;
	_ =	sdelay $0x4  }
0x4e: {  	v10 =	vmax.f32 v10, v2  }
0x4f: {  	[tilespmem:v4+s12+$0x0] =	vst.idx.msk vm1, v10  }
0x50: {  	v10 =	vld.idx.msk [tilespmem:v3+s12+$0x0], vm2;
	_ =	sdelay $0x4  }
0x51: {  	v10 =	vmax.f32 v10, v9  }
0x52: {  	[tilespmem:v3+s12+$0x0] =	vst.idx.msk vm2, v10  }
0x53: {  	v10 =	vld.idx.msk [tilespmem:v8+s12+$0x0], vm2;
	_ =	sdelay $0x4  }
0x54: {  	v10 =	vmax.f32 v10, v7  }
0x55: {  	[tilespmem:v8+s12+$0x0] =	vst.idx.msk vm2, v10  }
0x56: {  	v10 =	vld.idx.msk [tilespmem:v6+s12+$0x0], vm2;
	_ =	sdelay $0x4  }
0x57: {  	v10 =	vmax.f32 v10, v5  }
0x58: {  	[tilespmem:v6+s12+$0x0] =	vst.idx.msk vm2, v10  }
0x59: {  	v10 =	vld.idx.msk [tilespmem:v4+s12+$0x0], vm2;
	_ =	sdelay $0x4  }
0x5a: {  	v10 =	vmax.f32 v10, v2  }
0x5b: {  	[tilespmem:v4+s12+$0x0] =	vst.idx.msk vm2, v10  }
0x5c: {  	v10 =	vld.idx.msk [tilespmem:v3+s12+$0x0], vm3;
	_ =	sdelay $0x4  }
0x5d: {  	v10 =	vmax.f32 v10, v9  }
0x5e: {  	[tilespmem:v3+s12+$0x0] =	vst.idx.msk vm3, v10  }
0x5f: {  	v10 =	vld.idx.msk [tilespmem:v8+s12+$0x0], vm3;
	_ =	sdelay $0x4  }
0x60: {  	v10 =	vmax.f32 v10, v7  }
0x61: {  	[tilespmem:v8+s12+$0x0] =	vst.idx.msk vm3, v10  }
0x62: {  	v10 =	vld.idx.msk [tilespmem:v6+s12+$0x0], vm3;
	_ =	sdelay $0x4  }
0x63: {  	v10 =	vmax.f32 v10, v5  }
0x64: {  	[tilespmem:v6+s12+$0x0] =	vst.idx.msk vm3, v10  }
0x65: {  	v10 =	vld.idx.msk [tilespmem:v4+s12+$0x0], vm3;
	_ =	sdelay $0x4  }
0x66: {  	v10 =	vmax.f32 v10, v2  }
0x67: {  	[tilespmem:v4+s12+$0x0] =	vst.idx.msk vm3, v10  }
0x68: {  	v10 =	vld.idx.msk [tilespmem:v3+s12+$0x0], vm4;
	_ =	sdelay $0x4  }
0x69: {  	v10 =	vmax.f32 v10, v9  }
0x6a: {  	[tilespmem:v3+s12+$0x0] =	vst.idx.msk vm4, v10  }
0x6b: {  	v10 =	vld.idx.msk [tilespmem:v8+s12+$0x0], vm4;
	_ =	sdelay $0x4  }
0x6c: {  	v10 =	vmax.f32 v10, v7  }
0x6d: {  	[tilespmem:v8+s12+$0x0] =	vst.idx.msk vm4, v10  }
0x6e: {  	v10 =	vld.idx.msk [tilespmem:v6+s12+$0x0], vm4;
	_ =	sdelay $0x4  }
0x6f: {  	v10 =	vmax.f32 v10, v5  }
0x70: {  	[tilespmem:v6+s12+$0x0] =	vst.idx.msk vm4, v10  }
0x71: {  	v10 =	vld.idx.msk [tilespmem:v4+s12+$0x0], vm4;
	_ =	sdelay $0x4  }
0x72: {  	v10 =	vmax.f32 v10, v2  }
0x73: {  	[tilespmem:v4+s12+$0x0] =	vst.idx.msk vm4, v10  }
0x74: {  	v10 =	vld.idx.msk [tilespmem:v3+s12+$0x0], vm5;
	_ =	sdelay $0x4  }
0x75: {  	v10 =	vmax.f32 v10, v9  }
0x76: {  	[tilespmem:v3+s12+$0x0] =	vst.idx.msk vm5, v10  }
0x77: {  	v10 =	vld.idx.msk [tilespmem:v8+s12+$0x0], vm5;
	_ =	sdelay $0x4  }
0x78: {  	v10 =	vmax.f32 v10, v7  }
0x79: {  	[tilespmem:v8+s12+$0x0] =	vst.idx.msk vm5, v10  }
0x7a: {  	v10 =	vld.idx.msk [tilespmem:v6+s12+$0x0], vm5;
	_ =	sdelay $0x4  }
0x7b: {  	v10 =	vmax.f32 v10, v5  }
0x7c: {  	[tilespmem:v6+s12+$0x0] =	vst.idx.msk vm5, v10  }
0x7d: {  	v10 =	vld.idx.msk [tilespmem:v4+s12+$0x0], vm5;
	_ =	sdelay $0x4  }
0x7e: {  	v10 =	vmax.f32 v10, v2  }
0x7f: {  	[tilespmem:v4+s12+$0x0] =	vst.idx.msk vm5, v10  }
0x80: {  	v10 =	vld.idx.msk [tilespmem:v3+s12+$0x0], vm6;
	_ =	sdelay $0x4  }
0x81: {  	v10 =	vmax.f32 v10, v9  }
0x82: {  	[tilespmem:v3+s12+$0x0] =	vst.idx.msk vm6, v10  }
0x83: {  	v10 =	vld.idx.msk [tilespmem:v8+s12+$0x0], vm6;
	_ =	sdelay $0x4  }
0x84: {  	v10 =	vmax.f32 v10, v7  }
0x85: {  	[tilespmem:v8+s12+$0x0] =	vst.idx.msk vm6, v10  }
0x86: {  	v10 =	vld.idx.msk [tilespmem:v6+s12+$0x0], vm6;
	_ =	sdelay $0x4  }
0x87: {  	v10 =	vmax.f32 v10, v5  }
0x88: {  	[tilespmem:v6+s12+$0x0] =	vst.idx.msk vm6, v10  }
0x89: {  	v10 =	vld.idx.msk [tilespmem:v4+s12+$0x0], vm6;
	_ =	sdelay $0x4  }
0x8a: {  	v10 =	vmax.f32 v10, v2  }
0x8b: {  	[tilespmem:v4+s12+$0x0] =	vst.idx.msk vm6, v10  }
0x8c: {  	v10 =	vld.idx.msk [tilespmem:v3+s12+$0x0], vm7;
	_ =	sdelay $0x4  }
0x8d: {  	v10 =	vmax.f32 v10, v9  }
0x8e: {  	[tilespmem:v3+s12+$0x0] =	vst.idx.msk vm7, v10  }
0x8f: {  	v10 =	vld.idx.msk [tilespmem:v8+s12+$0x0], vm7;
	_ =	sdelay $0x4  }
0x90: {  	v10 =	vmax.f32 v10, v7  }
0x91: {  	[tilespmem:v8+s12+$0x0] =	vst.idx.msk vm7, v10  }
0x92: {  	v10 =	vld.idx.msk [tilespmem:v6+s12+$0x0], vm7;
	_ =	sdelay $0x4  }
0x93: {  	v10 =	vmax.f32 v10, v5  }
0x94: {  	[tilespmem:v6+s12+$0x0] =	vst.idx.msk vm7, v10  }
0x95: {  	v10 =	vld.idx.msk [tilespmem:v4+s12+$0x0], vm7;
	_ =	sdelay $0x4  }
0x96: {  	v10 =	vmax.f32 v10, v2  }
0x97: {  	[tilespmem:v4+s12+$0x0] =	vst.idx.msk vm7, v10  }
0x98: {  	v10 =	vld.idx.msk [tilespmem:v3+s12+$0x0], vm8;
	_ =	sdelay $0x4  }
0x99: {  	v10 =	vmax.f32 v10, v9  }
0x9a: {  	[tilespmem:v3+s12+$0x0] =	vst.idx.msk vm8, v10  }
0x9b: {  	v10 =	vld.idx.msk [tilespmem:v8+s12+$0x0], vm8;
	_ =	sdelay $0x4  }
0x9c: {  	v10 =	vmax.f32 v10, v7  }
0x9d: {  	[tilespmem:v8+s12+$0x0] =	vst.idx.msk vm8, v10  }
0x9e: {  	v10 =	vld.idx.msk [tilespmem:v6+s12+$0x0], vm8;
	_ =	sdelay $0x4  }
0x9f: {  	v10 =	vmax.f32 v10, v5  }
0xa0: {  	[tilespmem:v6+s12+$0x0] =	vst.idx.msk vm8, v10  }
0xa1: {  	v10 =	vld.idx.msk [tilespmem:v4+s12+$0x0], vm8;
	_ =	sdelay $0x4  }
0xa2: {  	v10 =	vmax.f32 v10, v2  }
0xa3: {  	[tilespmem:v4+s12+$0x0] =	vst.idx.msk vm8, v10  }
0xa4: {  	v10 =	vld.idx.msk [tilespmem:v3+s12+$0x0], vm9;
	_ =	sdelay $0x4  }
0xa5: {  	v10 =	vmax.f32 v10, v9  }
0xa6: {  	[tilespmem:v3+s12+$0x0] =	vst.idx.msk vm9, v10  }
0xa7: {  	v10 =	vld.idx.msk [tilespmem:v8+s12+$0x0], vm9;
	_ =	sdelay $0x4  }
0xa8: {  	v10 =	vmax.f32 v10, v7  }
0xa9: {  	[tilespmem:v8+s12+$0x0] =	vst.idx.msk vm9, v10  }
0xaa: {  	v10 =	vld.idx.msk [tilespmem:v6+s12+$0x0], vm9;
	_ =	sdelay $0x4  }
0xab: {  	v10 =	vmax.f32 v10, v5  }
0xac: {  	[tilespmem:v6+s12+$0x0] =	vst.idx.msk vm9, v10  }
0xad: {  	v10 =	vld.idx.msk [tilespmem:v4+s12+$0x0], vm9;
	_ =	sdelay $0x4  }
0xae: {  	v10 =	vmax.f32 v10, v2  }
0xaf: {  	[tilespmem:v4+s12+$0x0] =	vst.idx.msk vm9, v10  }
0xb0: {  	v10 =	vld.idx.msk [tilespmem:v3+s12+$0x0], vm10;
	_ =	sdelay $0x4  }
0xb1: {  	v10 =	vmax.f32 v10, v9  }
0xb2: {  	[tilespmem:v3+s12+$0x0] =	vst.idx.msk vm10, v10  }
0xb3: {  	v10 =	vld.idx.msk [tilespmem:v8+s12+$0x0], vm10;
	_ =	sdelay $0x4  }
0xb4: {  	v10 =	vmax.f32 v10, v7  }
0xb5: {  	[tilespmem:v8+s12+$0x0] =	vst.idx.msk vm10, v10  }
0xb6: {  	v10 =	vld.idx.msk [tilespmem:v6+s12+$0x0], vm10;
	_ =	sdelay $0x4  }
0xb7: {  	v10 =	vmax.f32 v10, v5  }
0xb8: {  	[tilespmem:v6+s12+$0x0] =	vst.idx.msk vm10, v10  }
0xb9: {  	v10 =	vld.idx.msk [tilespmem:v4+s12+$0x0], vm10;
	_ =	sdelay $0x4  }
0xba: {  	v10 =	vmax.f32 v10, v2  }
0xbb: {  	[tilespmem:v4+s12+$0x0] =	vst.idx.msk vm10, v10  }
0xbc: {  	v10 =	vld.idx.msk [tilespmem:v3+s12+$0x0], vm11;
	_ =	sdelay $0x4  }
0xbd: {  	v10 =	vmax.f32 v10, v9  }
0xbe: {  	[tilespmem:v3+s12+$0x0] =	vst.idx.msk vm11, v10  }
0xbf: {  	v10 =	vld.idx.msk [tilespmem:v8+s12+$0x0], vm11;
	_ =	sdelay $0x4  }
0xc0: {  	v10 =	vmax.f32 v10, v7  }
0xc1: {  	[tilespmem:v8+s12+$0x0] =	vst.idx.msk vm11, v10  }
0xc2: {  	v10 =	vld.idx.msk [tilespmem:v6+s12+$0x0], vm11;
	_ =	sdelay $0x4  }
0xc3: {  	v10 =	vmax.f32 v10, v5  }
0xc4: {  	[tilespmem:v6+s12+$0x0] =	vst.idx.msk vm11, v10  }
0xc5: {  	v10 =	vld.idx.msk [tilespmem:v4+s12+$0x0], vm11;
	_ =	sdelay $0x4  }
0xc6: {  	v10 =	vmax.f32 v10, v2  }
0xc7: {  	[tilespmem:v4+s12+$0x0] =	vst.idx.msk vm11, v10  }
0xc8: {  	v10 =	vld.idx.msk [tilespmem:v3+s12+$0x0], vm12;
	_ =	sdelay $0x4  }
0xc9: {  	v10 =	vmax.f32 v10, v9  }
0xca: {  	[tilespmem:v3+s12+$0x0] =	vst.idx.msk vm12, v10  }
0xcb: {  	v10 =	vld.idx.msk [tilespmem:v8+s12+$0x0], vm12;
	_ =	sdelay $0x4  }
0xcc: {  	v10 =	vmax.f32 v10, v7  }
0xcd: {  	[tilespmem:v8+s12+$0x0] =	vst.idx.msk vm12, v10  }
0xce: {  	v10 =	vld.idx.msk [tilespmem:v6+s12+$0x0], vm12;
	_ =	sdelay $0x4  }
0xcf: {  	v10 =	vmax.f32 v10, v5  }
0xd0: {  	[tilespmem:v6+s12+$0x0] =	vst.idx.msk vm12, v10  }
0xd1: {  	v10 =	vld.idx.msk [tilespmem:v4+s12+$0x0], vm12;
	_ =	sdelay $0x4  }
0xd2: {  	v10 =	vmax.f32 v10, v2  }
0xd3: {  	[tilespmem:v4+s12+$0x0] =	vst.idx.msk vm12, v10  }
0xd4: {  	v10 =	vld.idx.msk [tilespmem:v3+s12+$0x0], vm13;
	_ =	sdelay $0x4  }
0xd5: {  	v10 =	vmax.f32 v10, v9  }
0xd6: {  	[tilespmem:v3+s12+$0x0] =	vst.idx.msk vm13, v10  }
0xd7: {  	v10 =	vld.idx.msk [tilespmem:v8+s12+$0x0], vm13;
	_ =	sdelay $0x4  }
0xd8: {  	v10 =	vmax.f32 v10, v7  }
0xd9: {  	[tilespmem:v8+s12+$0x0] =	vst.idx.msk vm13, v10  }
0xda: {  	v10 =	vld.idx.msk [tilespmem:v6+s12+$0x0], vm13;
	_ =	sdelay $0x4  }
0xdb: {  	v10 =	vmax.f32 v10, v5  }
0xdc: {  	[tilespmem:v6+s12+$0x0] =	vst.idx.msk vm13, v10  }
0xdd: {  	v10 =	vld.idx.msk [tilespmem:v4+s12+$0x0], vm13;
	_ =	sdelay $0x4  }
0xde: {  	v10 =	vmax.f32 v10, v2  }
0xdf: {  	[tilespmem:v4+s12+$0x0] =	vst.idx.msk vm13, v10  }
0xe0: {  	v10 =	vld.idx.msk [tilespmem:v3+s12+$0x0], vm14;
	_ =	sdelay $0x4  }
0xe1: {  	v63 =	vmax.f32 v10, v9  }
0xe2: {  	[tilespmem:v3+s12+$0x0] =	vst.idx.msk vm14, v63  }
0xe3: {  	v3 =	vld.idx.msk [tilespmem:v8+s12+$0x0], vm14;
	_ =	sdelay $0x4  }
0xe4: {  	v3 =	vmax.f32 v3, v7  }
0xe5: {  	[tilespmem:v8+s12+$0x0] =	vst.idx.msk vm14, v3  }
0xe6: {  	v3 =	vld.idx.msk [tilespmem:v6+s12+$0x0], vm14;
	_ =	sdelay $0x4  }
0xe7: {  	v3 =	vmax.f32 v3, v5  }
0xe8: {  	[tilespmem:v6+s12+$0x0] =	vst.idx.msk vm14, v3  }
0xe9: {  	v3 =	vld.idx.msk [tilespmem:v4+s12+$0x0], vm14;
	_ =	sdelay $0x4  }
0xea: {  	v2 =	vmax.f32 v3, v2  }
0xeb: {  	[tilespmem:v4+s12+$0x0] =	vst.idx.msk vm14, v2  }
.LBB2_8:
0xec: {  	s16 =	sadd.s32 $0x40, s16  }
0xed: {  	p0 =	sne.s32 s16, $0x1F40  }
.Ltmp6:
0xee: {  	_ = 	snop;
	(pc) =	sbr.rel @!p0 .LBB2_9-.Ltmp6, $1  }
0xef: {  	_ =	sdelay $0x3  }
.LBB2_5:
0xf0: {  	s17 =	sshra.s32 s16, $0x2  }
0xf1: {  	v3 =	vld [tilespmem:s17+$0x800];
	_ =	sdelay $0x7  }
0xf2: {  	v2 =	vld [tilespmem:s17+$0x0];
	[tilespmem:v3+s11+$0x0] =	vst.idx.msk $0xffff, v1  }
0xf3: {  	v4 =	vld.idx.msk [tilespmem:v3+s11+$0x0], $0xffff;
	_ =	sdelay $0x4  }
0xf4: {  	vm15 =	vne.s32 v4, v1  }
0xf5: {  	v4 =	vmpcnt.ones.xlane vm15;
	_ =	sdelay $0x1  }
0xf6: {  	(v2sf) =	vpush v4, $0x0;
	_ =	sdelay $0xd  }
0xf7: {  	v5 =	vadd.s32 $0x5000, v2  }
0xf8: {  	v6 =	vadd.s32 $0x7800, v2;
	s31 =	spop (v2sf)  }
0xf9: {  	v4 =	vadd.s32 $0x2800, v2;
	p0 =	sne.s32 s31, $0x0  }
.Ltmp7:
0xfa: {  	_ = 	snop;
	(pc) =	sbr.rel @p0 .LBB2_7-.Ltmp7, $4  }
0xfb: {  	v9 =	vld.idx.msk [tilespmem:v2+s8+$0x0], $0xffff  }
0xfc: {  	v5 =	vld.idx.msk [tilespmem:v5+s8+$0x0], $0xffff  }
0xfd: {  	v2 =	vld.idx.msk [tilespmem:v6+s8+$0x0], $0xffff  }
0xfe: {  	v8 =	vadd.s32 $0x2800, v3;
	v6 =	vadd.s32 $0x5000, v3;
	v7 =	vld.idx.msk [tilespmem:v4+s8+$0x0], $0xffff;
	v4 =	vadd.s32 $0x7800, v3  }
0xff: {  	_ =	sdelay $0x3  }
0x100: {  	v10 =	vld.idx.msk [tilespmem:v3+s12+$0x0], $0xffff;
	_ =	sdelay $0x4  }
0x101: {  	v9 =	vmax.f32 v10, v9  }
0x102: {  	[tilespmem:v3+s12+$0x0] =	vst.idx.msk $0xffff, v9  }
0x103: {  	v3 =	vld.idx.msk [tilespmem:v8+s12+$0x0], $0xffff;
	_ =	sdelay $0x4  }
0x104: {  	v3 =	vmax.f32 v3, v7  }
0x105: {  	[tilespmem:v8+s12+$0x0] =	vst.idx.msk $0xffff, v3  }
0x106: {  	v3 =	vld.idx.msk [tilespmem:v6+s12+$0x0], $0xffff;
	_ =	sdelay $0x4  }
0x107: {  	v3 =	vmax.f32 v3, v5  }
0x108: {  	[tilespmem:v6+s12+$0x0] =	vst.idx.msk $0xffff, v3  }
0x109: {  	v3 =	vld.idx.msk [tilespmem:v4+s12+$0x0], $0xffff;
	_ =	sdelay $0x1  }
.Ltmp8:
0x10a: {  	_ = 	snop;
	(pc) =	sbr.rel .LBB2_8-.Ltmp8, $3  }
0x10b: {  	_ =	sdelay $0x1  }
0x10c: {  	v2 =	vmax.f32 v3, v2  }
0x10d: {  	[tilespmem:v4+s12+$0x0] =	vst.idx.msk $0xffff, v2  }
.LBB2_11:
0x10e: {  	_ =	sfence.sel $0x180000  }
0x10f: {  	[bflag:$0x0] =	sbarrier.arrive $0xFFFF  }
0x110: {  	p0 =	sne.s32 s0, $0x0;
	_ =	strace $0x90000047  }
0x111: {  	s0 =	sadd.s32 @!p0 $0x100000, s1;
	[bflag:$0x2] =	sbarrier.arrive $0xFFFF  }
0x112: {  	[sflag:s0] =	ssyncadd.tile.s32 @!p0 $0x1;
	_ =	shalt  }
.Lfunc_end2:
_tile_overlayer_lowered:
.L_overlay_start_2:
0x113: {  	(tag) =	ssettag $0x2  }
0x114: {  	s0 =	rddreg [dreg:$0x0];
	s2 =	stileid.u32  }
0x115: {  	s1 =	rddreg [dreg:$0x1];
	p0 =	sne.s32 s2, $0x0  }
0x116: {  	s3 =	rddreg [dreg:$0x2];
	[bflag:$0x3] =	sbarrier.arrive $0xFFFF;
	s2 =	simm.s32 @!p0 $0x1C01  }
0x117: {  	[timem:s3], [sflag:s2] =	dma.local @!p0 [hbm:s0], s1  }
0x118: {  	s0 =	simm.s32 @!p0 $0x1  }
0x119: {  	_ =	swait.ge @!p0 [sflag:s0], s1  }
0x11a: {  	s1 =	ssub.s32 @!p0 $0x0, s1;
	[sflag:s0] =	ssyncset.done @!p0 $0x0  }
0x11b: {  	[sflag:s0] =	ssyncadd.s32 @!p0 s1  }
0x11c: {  	[bflag:$0x3] =	sbarrier.arrive $0xFFFF  }
0x11d: {  	_ =	shalt  }

</sc_bundles>
